<compile_context>
chip_gen: v7x
topology: tpu7x:2x2x1
jax: 0.10.2.dev20260603
libtpu: 0.0.44.dev20260713+nightly
codegen_flags: <defaults>
</compile_context>

<pallas_src>
import jax
import jax.numpy as jnp
from jax import lax
from jax.experimental import pallas as pl
from jax.experimental.pallas import tpu as pltpu
from jax.experimental.pallas import tpu_sc as plsc

N = 10000
E = 320000
D = 128

NC = 2
NS = 16
NW = NC * NS

CHUNK = 128
CPT = 80
EP = NW * CPT * CHUNK
NP = 10112
NBLK = NP // CHUNK
KMAX = (NBLK + NS - 1) // NS

_MESH = plsc.VectorSubcoreMesh(core_axis_name="c", subcore_axis_name="s")


CH2 = 64
CPT2 = EP // (NW * CH2)
NB2 = NP // CH2
KMAX2 = (NB2 + NS - 1) // NS


def _sc_agg_body(table_hbm, src_hbm, dst_hbm, zeros_hbm, parts_hbm,
                 sidx0, didx0, rbuf0, gsem0, sidx1, didx1, rbuf1, gsem1, acc):
    cid = lax.axis_index("c")
    sid = lax.axis_index("s")
    wid = sid * NC + cid
    pltpu.sync_copy(zeros_hbm, rbuf0)
    pltpu.sync_copy(zeros_hbm, rbuf1)

    def zero_body(k, c):
        b = sid + k * NS

        @pl.when(b < NB2)
        def _():
            pltpu.sync_copy(rbuf0, acc.at[pl.ds(b * CH2, CH2)])

        return c

    lax.fori_loop(0, KMAX2, zero_body, 0)
    plsc.subcore_barrier()

    pltpu.sync_copy(src_hbm.at[wid, 0], sidx0)
    pltpu.sync_copy(dst_hbm.at[wid, 0], didx0)
    pltpu.async_copy(table_hbm.at[sidx0], rbuf0, gsem0)

    def pair_body(g, c):
        j1 = 2 * g + 1
        pltpu.sync_copy(src_hbm.at[wid, j1], sidx1)
        pltpu.sync_copy(dst_hbm.at[wid, j1], didx1)
        pltpu.async_copy(table_hbm.at[sidx1], rbuf1, gsem1)
        pltpu.make_async_copy(table_hbm.at[sidx0], rbuf0, gsem0).wait()
        pltpu.sync_copy(rbuf0, acc.at[didx0], add=True)

        @pl.when(j1 + 1 < CPT2)
        def _():
            pltpu.sync_copy(src_hbm.at[wid, j1 + 1], sidx0)
            pltpu.sync_copy(dst_hbm.at[wid, j1 + 1], didx0)
            pltpu.async_copy(table_hbm.at[sidx0], rbuf0, gsem0)

        pltpu.make_async_copy(table_hbm.at[sidx1], rbuf1, gsem1).wait()
        pltpu.sync_copy(rbuf1, acc.at[didx1], add=True)
        return c

    lax.fori_loop(0, CPT2 // 2, pair_body, 0)
    plsc.subcore_barrier()

    def out_body(k, c):
        b = sid + k * NS

        @pl.when(b < NB2)
        def _():
            r = b * CH2
            pltpu.sync_copy(acc.at[pl.ds(r, CH2)], rbuf0)
            pltpu.sync_copy(rbuf0, parts_hbm.at[cid, pl.ds(r, CH2)])

        return c

    lax.fori_loop(0, KMAX2, out_body, 0)


_sc_agg = pl.kernel(
    _sc_agg_body,
    out_type=jax.ShapeDtypeStruct((NC, NP, D), jnp.float32),
    mesh=_MESH,
    scratch_types=[
        pltpu.VMEM((CH2,), jnp.int32),
        pltpu.VMEM((CH2,), jnp.int32),
        pltpu.VMEM((CH2, D), jnp.float32),
        pltpu.SemaphoreType.DMA,
        pltpu.VMEM((CH2,), jnp.int32),
        pltpu.VMEM((CH2,), jnp.int32),
        pltpu.VMEM((CH2, D), jnp.float32),
        pltpu.SemaphoreType.DMA,
        pltpu.VMEM_SHARED((NP, D), jnp.float32),
    ],
)


def _sc_ones_body(dst_hbm, ones_hbm, zeros_hbm, cnts_hbm, didx, rbuf, acc):
    cid = lax.axis_index("c")
    sid = lax.axis_index("s")
    wid = sid * NC + cid
    pltpu.sync_copy(zeros_hbm, rbuf)

    def zero_body(k, c):
        b = sid + k * NS

        @pl.when(b < NBLK)
        def _():
            pltpu.sync_copy(rbuf, acc.at[pl.ds(b * CHUNK, CHUNK)])

        return c

    lax.fori_loop(0, KMAX, zero_body, 0)
    pltpu.sync_copy(ones_hbm, rbuf)
    plsc.subcore_barrier()

    def chunk_body(j, c):
        pltpu.sync_copy(dst_hbm.at[wid, j], didx)
        pltpu.sync_copy(rbuf, acc.at[didx], add=True)
        return c

    lax.fori_loop(0, CPT, chunk_body, 0)
    plsc.subcore_barrier()

    def out_body(k, c):
        b = sid + k * NS

        @pl.when(b < NBLK)
        def _():
            r = b * CHUNK
            pltpu.sync_copy(acc.at[pl.ds(r, CHUNK)], rbuf)
            pltpu.sync_copy(rbuf, cnts_hbm.at[cid, pl.ds(r, CHUNK)])

        return c

    lax.fori_loop(0, KMAX, out_body, 0)


_sc_ones = pl.kernel(
    _sc_ones_body,
    out_type=jax.ShapeDtypeStruct((NC, NP, D), jnp.float32),
    mesh=_MESH,
    scratch_types=[
        pltpu.VMEM((CHUNK,), jnp.int32),
        pltpu.VMEM((CHUNK, D), jnp.float32),
        pltpu.VMEM_SHARED((NP, D), jnp.float32),
    ],
)


BN = 400


def _dot_t(a, w):
    return lax.dot_general(a, w, (((1,), (1,)), ((), ())),
                           preferred_element_type=jnp.float32)


def _dense1_body(p_ref, c_ref, x_ref, wl_ref, bl_ref, wr_ref, h_ref, ic_ref):
    cnt = c_ref[0, :, 0] + c_ref[1, :, 0]
    invc = 1.0 / jnp.maximum(cnt, 1.0)
    m = (p_ref[0] + p_ref[1]) * invc[:, None]
    h = _dot_t(m, wl_ref[...]) + bl_ref[...][None, :] + _dot_t(x_ref[...], wr_ref[...])
    h_ref[...] = jnp.maximum(h, 0.0)
    ic_ref[...] = invc[:, None]


def _dense2_body(p_ref, ic_ref, h_ref, wl_ref, bl_ref, wr_ref, o_ref):
    m = (p_ref[0] + p_ref[1]) * ic_ref[...]
    o_ref[...] = _dot_t(m, wl_ref[...]) + bl_ref[...][None, :] + _dot_t(h_ref[...], wr_ref[...])


def _dense1(parts, cnts, x, Wl, bl, Wr):
    return pl.pallas_call(
        _dense1_body,
        grid=(N // BN,),
        in_specs=[
            pl.BlockSpec((NC, BN, D), lambda i: (0, i, 0)),
            pl.BlockSpec((NC, BN, D), lambda i: (0, i, 0)),
            pl.BlockSpec((BN, D), lambda i: (i, 0)),
            pl.BlockSpec((D, D), lambda i: (0, 0)),
            pl.BlockSpec((D,), lambda i: (0,)),
            pl.BlockSpec((D, D), lambda i: (0, 0)),
        ],
        out_specs=[
            pl.BlockSpec((BN, D), lambda i: (i, 0)),
            pl.BlockSpec((BN, 1), lambda i: (i, 0)),
        ],
        out_shape=[
            jax.ShapeDtypeStruct((N, D), jnp.float32),
            jax.ShapeDtypeStruct((N, 1), jnp.float32),
        ],
    )(parts, cnts, x, Wl, bl, Wr)


def _dense2(parts, invc, h, Wl, bl, Wr):
    return pl.pallas_call(
        _dense2_body,
        grid=(N // BN,),
        in_specs=[
            pl.BlockSpec((NC, BN, D), lambda i: (0, i, 0)),
            pl.BlockSpec((BN, 1), lambda i: (i, 0)),
            pl.BlockSpec((BN, D), lambda i: (i, 0)),
            pl.BlockSpec((D, D), lambda i: (0, 0)),
            pl.BlockSpec((D,), lambda i: (0,)),
            pl.BlockSpec((D, D), lambda i: (0, 0)),
        ],
        out_specs=pl.BlockSpec((BN, D), lambda i: (i, 0)),
        out_shape=jax.ShapeDtypeStruct((N, D), jnp.float32),
    )(parts, invc, h, Wl, bl, Wr)


def kernel(x, edge_index, W1l, b1l, W1r, W2l, b2l, W2r):
    src = edge_index[0].astype(jnp.int32)
    dst = edge_index[1].astype(jnp.int32)
    pad = EP - E
    pad_ar = jnp.arange(pad, dtype=jnp.int32)
    pad_src = (pad_ar * 97) % N
    pad_dst = N + pad_ar % (NP - N)
    src_flat = jnp.concatenate([src, pad_src])
    dst_flat = jnp.concatenate([dst, pad_dst])
    dst = dst_flat.reshape(NW, CPT, CHUNK)
    src2 = src_flat.reshape(NW, CPT2, CH2)
    dst2 = dst_flat.reshape(NW, CPT2, CH2)
    zeros_d = jnp.zeros((CHUNK, D), jnp.float32)
    zeros_d2 = jnp.zeros((CH2, D), jnp.float32)

    ones_d = jnp.ones((CHUNK, D), jnp.float32)
    cnts = _sc_ones(dst, ones_d, zeros_d)
    parts1 = _sc_agg(x, src2, dst2, zeros_d2)
    h, invc = _dense1(parts1, cnts, x, W1l, b1l, W1r)
    parts2 = _sc_agg(h, src2, dst2, zeros_d2)
    out = _dense2(parts2, invc, h, W2l, b2l, W2r)
    return out

# --- scband reference (transcript-rebuilt; emitter-appended) ---
"""Pipeline reference for scband-gnn-12103217840680 (READ-ONLY COPY).

The authoritative reference and input builder live on the scoring server;
editing this copy changes nothing except your own understanding.
"""

import jax, jax.numpy as jnp
import numpy as np

N_NODES = 10000
N_EDGES = 320000
D = 128


def setup_inputs(seed: int = 0) -> dict:
    key = jax.random.key(seed)
    ks = jax.random.split(key, 9)
    x = jax.random.normal(ks[0], (N_NODES, D), dtype=jnp.float32)
    edge_index = jax.random.randint(ks[1], (2, N_EDGES), 0, N_NODES, dtype=jnp.int64)
    s = 0.05
    W1l = jax.random.normal(ks[2], (D, D), dtype=jnp.float32) * s
    b1l = jax.random.normal(ks[3], (D,), dtype=jnp.float32) * s
    W1r = jax.random.normal(ks[4], (D, D), dtype=jnp.float32) * s
    W2l = jax.random.normal(ks[5], (D, D), dtype=jnp.float32) * s
    b2l = jax.random.normal(ks[6], (D,), dtype=jnp.float32) * s
    W2r = jax.random.normal(ks[7], (D, D), dtype=jnp.float32) * s
    return {"x": x, "edge_index": edge_index, "W1l": W1l, "b1l": b1l, "W1r": W1r,
            "W2l": W2l, "b2l": b2l, "W2r": W2r}


def _sage_conv(x, edge_index, Wl, bl, Wr):
    # PyG SAGEConv (mean aggr): out = lin_l(mean_{j in N(i)} x_j) + lin_r(x_i)
    src = edge_index[0]
    dst = edge_index[1]
    n = x.shape[0]
    msgs = jnp.take(x, src, axis=0)                       # gather
    agg = jax.ops.segment_sum(msgs, dst, num_segments=n)  # scatter-add
    cnt = jax.ops.segment_sum(jnp.ones((msgs.shape[0],), dtype=x.dtype), dst, num_segments=n)
    mean = agg / jnp.clip(cnt, 1.0)[:, None]
    return mean @ Wl.T + bl + x @ Wr.T


def reference(x, edge_index, W1l, b1l, W1r, W2l, b2l, W2r):
    h = jax.nn.relu(_sage_conv(x, edge_index, W1l, b1l, W1r))
    # dropout p=0.5 is identity in eval mode (training=False)
    out = _sage_conv(h, edge_index, W2l, b2l, W2r)
    return out

if __name__ == "__main__":
    import jax
    _d = setup_inputs()
    print(jax.jit(kernel)(*tuple(_d.values())))

</pallas_src>

<mosaic_0001>
#map = affine_map<(d0, d1) -> (0, 0, 0)>
#map1 = affine_map<(d0, d1) -> (0, 0)>
module attributes {stable_mosaic.version = 14 : i64} {
  func.func @_sc_ones_body(%arg0: i32, %arg1: i32, %arg2: memref<32x80x128xi32, #tpu.memory_space<hbm>>, %arg3: memref<128x128xf32, #tpu.memory_space<hbm>>, %arg4: memref<128x128xf32, #tpu.memory_space<hbm>>, %arg5: memref<2x10112x128xf32, #tpu.memory_space<hbm>>, %arg6: memref<128xi32, #tpu.memory_space<vmem>>, %arg7: memref<128x128xf32, #tpu.memory_space<vmem>>, %arg8: memref<10112x128xf32, #tpu.memory_space<vmem_shared>>) attributes {dimension_semantics = [#tpu.dimension_semantics<core_parallel>, #tpu.dimension_semantics<subcore_parallel>], iteration_bounds = array<i64: 2, 16>, scalar_prefetch = 0 : i64, scratch_operands = 3 : i64, tpu.core_type = #tpu.core_type<sc_vector_subcore>, window_params = [{transform_indices = #map}, {transform_indices = #map1}, {transform_indices = #map1}, {transform_indices = #map}]} {
    %mul3A = arith.constant 2 : i32
    %mul3A_0 = arith.muli %arg1, %mul3A : i32
    %add3A = arith.addi %mul3A_0, %arg0 : i32
    "tpu.region"() ({
      %run_scoped3A = tpu.sem_alloc : memref<!tpu.dma_semaphore, #tpu.memory_space<semaphore_mem>>
      tpu.enqueue_dma source(%arg4 : memref<128x128xf32, #tpu.memory_space<hbm>>) target(%arg7 : memref<128x128xf32, #tpu.memory_space<vmem>>) target_semaphore(%run_scoped3A : memref<!tpu.dma_semaphore, #tpu.memory_space<semaphore_mem>>)
      tpu.wait_dma2 semaphore(%run_scoped3A : memref<!tpu.dma_semaphore, #tpu.memory_space<semaphore_mem>>) src(%arg4 : memref<128x128xf32, #tpu.memory_space<hbm>>) dst(%arg7 : memref<128x128xf32, #tpu.memory_space<vmem>>)
      tpu.yield
    }) : () -> ()
    %scan3A = arith.constant 0 : i32
    %scan3A_1 = arith.constant 0 : i32
    %scan3A_2 = arith.constant 5 : i32
    %scan3A_3 = arith.addi %scan3A_1, %scan3A_2 : i32
    %scan3A_4 = arith.constant 1 : i32
    scf.for %scan3A_19 = %scan3A_1 to %scan3A_3 step %scan3A_4  : i32 {
      %mul3A_20 = arith.constant 16 : i32
      %mul3A_21 = arith.muli %scan3A_19, %mul3A_20 : i32
      %add3A_22 = arith.addi %arg1, %mul3A_21 : i32
      %lt3A = arith.constant 79 : i32
      %lt3A_23 = arith.cmpi slt, %add3A_22, %lt3A : i32
      %convert_element_type3A = arith.extui %lt3A_23 : i1 to i32
      %cond3A = arith.constant 0 : i32
      %cond3A_24 = arith.cmpi ne, %convert_element_type3A, %cond3A : i32
      scf.if %cond3A_24 {
        %mul3A_25 = arith.constant 128 : i32
        %mul3A_26 = arith.muli %add3A_22, %mul3A_25 : i32
        "tpu.region"() ({
          %run_scoped3A = tpu.sem_alloc : memref<!tpu.dma_semaphore, #tpu.memory_space<semaphore_mem>>
          %dma_start3A = arith.constant 0 : i32
          %dma_start3A_27 = tpu.memref_slice %arg8[%mul3A_26, %dma_start3A] : memref<10112x128xf32, #tpu.memory_space<vmem_shared>> -> memref<128x128xf32, #tpu.memory_space<vmem_shared>>
          %dma_start3A_28 = arith.constant 0 : i32
          %dma_start3A_29 = tpu.memref_slice %arg8[%mul3A_26, %dma_start3A_28] : memref<10112x128xf32, #tpu.memory_space<vmem_shared>> -> memref<128x128xf32, #tpu.memory_space<vmem_shared>>
          tpu.enqueue_dma source(%arg7 : memref<128x128xf32, #tpu.memory_space<vmem>>) target(%dma_start3A_29 : memref<128x128xf32, #tpu.memory_space<vmem_shared>>) target_semaphore(%run_scoped3A : memref<!tpu.dma_semaphore, #tpu.memory_space<semaphore_mem>>)
          %dma_wait3A = arith.constant 0 : i32
          %dma_wait3A_30 = tpu.memref_slice %arg8[%mul3A_26, %dma_wait3A] : memref<10112x128xf32, #tpu.memory_space<vmem_shared>> -> memref<128x128xf32, #tpu.memory_space<vmem_shared>>
          %dma_wait3A_31 = arith.constant 0 : i32
          %dma_wait3A_32 = tpu.memref_slice %arg8[%mul3A_26, %dma_wait3A_31] : memref<10112x128xf32, #tpu.memory_space<vmem_shared>> -> memref<128x128xf32, #tpu.memory_space<vmem_shared>>
          tpu.wait_dma2 semaphore(%run_scoped3A : memref<!tpu.dma_semaphore, #tpu.memory_space<semaphore_mem>>) src(%arg7 : memref<128x128xf32, #tpu.memory_space<vmem>>) dst(%dma_wait3A_32 : memref<128x128xf32, #tpu.memory_space<vmem_shared>>)
          tpu.yield
        }) : () -> ()
      } else {
      }
    }
    %scan3A_5 = arith.constant 5 : i32
    "tpu.region"() ({
      %run_scoped3A = tpu.sem_alloc : memref<!tpu.dma_semaphore, #tpu.memory_space<semaphore_mem>>
      tpu.enqueue_dma source(%arg3 : memref<128x128xf32, #tpu.memory_space<hbm>>) target(%arg7 : memref<128x128xf32, #tpu.memory_space<vmem>>) target_semaphore(%run_scoped3A : memref<!tpu.dma_semaphore, #tpu.memory_space<semaphore_mem>>)
      tpu.wait_dma2 semaphore(%run_scoped3A : memref<!tpu.dma_semaphore, #tpu.memory_space<semaphore_mem>>) src(%arg3 : memref<128x128xf32, #tpu.memory_space<hbm>>) dst(%arg7 : memref<128x128xf32, #tpu.memory_space<vmem>>)
      tpu.yield
    }) : () -> ()
    %barrier3A = arith.constant 0 : index
    tpu.barrier barrier_id(%barrier3A)
    %scan3A_6 = arith.constant 0 : i32
    %scan3A_7 = arith.constant 0 : i32
    %scan3A_8 = arith.constant 80 : i32
    %scan3A_9 = arith.addi %scan3A_7, %scan3A_8 : i32
    %scan3A_10 = arith.constant 1 : i32
    scf.for %scan3A_19 = %scan3A_7 to %scan3A_9 step %scan3A_10  : i32 {
      "tpu.region"() ({
        %run_scoped3A = tpu.sem_alloc : memref<!tpu.dma_semaphore, #tpu.memory_space<semaphore_mem>>
        %dma_start3A = arith.constant 0 : i32
        %dma_start3A_20 = tpu.memref_slice %arg2[%add3A, %scan3A_19, %dma_start3A] : memref<32x80x128xi32, #tpu.memory_space<hbm>> -> memref<1x1x128xi32, #tpu.memory_space<hbm>>
        %dma_start3A_21 = tpu.memref_squeeze %dma_start3A_20 : memref<1x1x128xi32, #tpu.memory_space<hbm>> -> memref<128xi32, #tpu.memory_space<hbm>>
        %dma_start3A_22 = arith.constant 0 : i32
        %dma_start3A_23 = tpu.memref_slice %arg2[%add3A, %scan3A_19, %dma_start3A_22] : memref<32x80x128xi32, #tpu.memory_space<hbm>> -> memref<1x1x128xi32, #tpu.memory_space<hbm>>
        %dma_start3A_24 = tpu.memref_squeeze %dma_start3A_23 : memref<1x1x128xi32, #tpu.memory_space<hbm>> -> memref<128xi32, #tpu.memory_space<hbm>>
        tpu.enqueue_dma source(%dma_start3A_24 : memref<128xi32, #tpu.memory_space<hbm>>) target(%arg6 : memref<128xi32, #tpu.memory_space<vmem>>) target_semaphore(%run_scoped3A : memref<!tpu.dma_semaphore, #tpu.memory_space<semaphore_mem>>)
        %dma_wait3A = arith.constant 0 : i32
        %dma_wait3A_25 = tpu.memref_slice %arg2[%add3A, %scan3A_19, %dma_wait3A] : memref<32x80x128xi32, #tpu.memory_space<hbm>> -> memref<1x1x128xi32, #tpu.memory_space<hbm>>
        %dma_wait3A_26 = tpu.memref_squeeze %dma_wait3A_25 : memref<1x1x128xi32, #tpu.memory_space<hbm>> -> memref<128xi32, #tpu.memory_space<hbm>>
        %dma_wait3A_27 = arith.constant 0 : i32
        %dma_wait3A_28 = tpu.memref_slice %arg2[%add3A, %scan3A_19, %dma_wait3A_27] : memref<32x80x128xi32, #tpu.memory_space<hbm>> -> memref<1x1x128xi32, #tpu.memory_space<hbm>>
        %dma_wait3A_29 = tpu.memref_squeeze %dma_wait3A_28 : memref<1x1x128xi32, #tpu.memory_space<hbm>> -> memref<128xi32, #tpu.memory_space<hbm>>
        tpu.wait_dma2 semaphore(%run_scoped3A : memref<!tpu.dma_semaphore, #tpu.memory_space<semaphore_mem>>) src(%dma_wait3A_29 : memref<128xi32, #tpu.memory_space<hbm>>) dst(%arg6 : memref<128xi32, #tpu.memory_space<vmem>>)
        tpu.yield
      }) : () -> ()
      "tpu.region"() ({
        %run_scoped3A = tpu.sem_alloc : memref<!tpu.dma_semaphore, #tpu.memory_space<semaphore_mem>>
        %dma_start3A = arith.constant 0 : i32
        %dma_start3A_20 = arith.constant 0 : i32
        %dma_start3A_21 = tpu.memref_slice %arg8[%dma_start3A, %dma_start3A_20] : memref<10112x128xf32, #tpu.memory_space<vmem_shared>> -> memref<10112x128xf32, #tpu.memory_space<vmem_shared>>
        tpu.enqueue_indirect_dma source(%arg7 : memref<128x128xf32, #tpu.memory_space<vmem>>) target(%dma_start3A_21 : memref<10112x128xf32, #tpu.memory_space<vmem_shared>>) offsets(%arg6 : memref<128xi32, #tpu.memory_space<vmem>>) semaphore(%run_scoped3A : memref<!tpu.dma_semaphore, #tpu.memory_space<semaphore_mem>>) {add = true}
        %dma_wait3A = arith.constant 0 : i32
        %dma_wait3A_22 = arith.constant 0 : i32
        %dma_wait3A_23 = tpu.memref_slice %arg8[%dma_wait3A, %dma_wait3A_22] : memref<10112x128xf32, #tpu.memory_space<vmem_shared>> -> memref<10112x128xf32, #tpu.memory_space<vmem_shared>>
        tpu.wait_indirect_dma semaphore(%run_scoped3A : memref<!tpu.dma_semaphore, #tpu.memory_space<semaphore_mem>>) src(%arg7 : memref<128x128xf32, #tpu.memory_space<vmem>>) dst(%dma_wait3A_23 : memref<10112x128xf32, #tpu.memory_space<vmem_shared>>)
        tpu.yield
      }) : () -> ()
    }
    %scan3A_11 = arith.constant 80 : i32
    %barrier3A_12 = arith.constant 0 : index
    tpu.barrier barrier_id(%barrier3A_12)
    %scan3A_13 = arith.constant 0 : i32
    %scan3A_14 = arith.constant 0 : i32
    %scan3A_15 = arith.constant 5 : i32
    %scan3A_16 = arith.addi %scan3A_14, %scan3A_15 : i32
    %scan3A_17 = arith.constant 1 : i32
    scf.for %scan3A_19 = %scan3A_14 to %scan3A_16 step %scan3A_17  : i32 {
      %mul3A_20 = arith.constant 16 : i32
      %mul3A_21 = arith.muli %scan3A_19, %mul3A_20 : i32
      %add3A_22 = arith.addi %arg1, %mul3A_21 : i32
      %lt3A = arith.constant 79 : i32
      %lt3A_23 = arith.cmpi slt, %add3A_22, %lt3A : i32
      %convert_element_type3A = arith.extui %lt3A_23 : i1 to i32
      %cond3A = arith.constant 0 : i32
      %cond3A_24 = arith.cmpi ne, %convert_element_type3A, %cond3A : i32
      scf.if %cond3A_24 {
        %mul3A_25 = arith.constant 128 : i32
        %mul3A_26 = arith.muli %add3A_22, %mul3A_25 : i32
        "tpu.region"() ({
          %run_scoped3A = tpu.sem_alloc : memref<!tpu.dma_semaphore, #tpu.memory_space<semaphore_mem>>
          %dma_start3A = arith.constant 0 : i32
          %dma_start3A_27 = tpu.memref_slice %arg8[%mul3A_26, %dma_start3A] : memref<10112x128xf32, #tpu.memory_space<vmem_shared>> -> memref<128x128xf32, #tpu.memory_space<vmem_shared>>
          %dma_start3A_28 = arith.constant 0 : i32
          %dma_start3A_29 = tpu.memref_slice %arg8[%mul3A_26, %dma_start3A_28] : memref<10112x128xf32, #tpu.memory_space<vmem_shared>> -> memref<128x128xf32, #tpu.memory_space<vmem_shared>>
          tpu.enqueue_dma source(%dma_start3A_29 : memref<128x128xf32, #tpu.memory_space<vmem_shared>>) target(%arg7 : memref<128x128xf32, #tpu.memory_space<vmem>>) target_semaphore(%run_scoped3A : memref<!tpu.dma_semaphore, #tpu.memory_space<semaphore_mem>>)
          %dma_wait3A = arith.constant 0 : i32
          %dma_wait3A_30 = tpu.memref_slice %arg8[%mul3A_26, %dma_wait3A] : memref<10112x128xf32, #tpu.memory_space<vmem_shared>> -> memref<128x128xf32, #tpu.memory_space<vmem_shared>>
          %dma_wait3A_31 = arith.constant 0 : i32
          %dma_wait3A_32 = tpu.memref_slice %arg8[%mul3A_26, %dma_wait3A_31] : memref<10112x128xf32, #tpu.memory_space<vmem_shared>> -> memref<128x128xf32, #tpu.memory_space<vmem_shared>>
          tpu.wait_dma2 semaphore(%run_scoped3A : memref<!tpu.dma_semaphore, #tpu.memory_space<semaphore_mem>>) src(%dma_wait3A_32 : memref<128x128xf32, #tpu.memory_space<vmem_shared>>) dst(%arg7 : memref<128x128xf32, #tpu.memory_space<vmem>>)
          tpu.yield
        }) : () -> ()
        "tpu.region"() ({
          %run_scoped3A = tpu.sem_alloc : memref<!tpu.dma_semaphore, #tpu.memory_space<semaphore_mem>>
          %dma_start3A = arith.constant 0 : i32
          %dma_start3A_27 = tpu.memref_slice %arg5[%arg0, %mul3A_26, %dma_start3A] : memref<2x10112x128xf32, #tpu.memory_space<hbm>> -> memref<1x128x128xf32, #tpu.memory_space<hbm>>
          %dma_start3A_28 = tpu.memref_squeeze %dma_start3A_27 : memref<1x128x128xf32, #tpu.memory_space<hbm>> -> memref<128x128xf32, #tpu.memory_space<hbm>>
          %dma_start3A_29 = arith.constant 0 : i32
          %dma_start3A_30 = tpu.memref_slice %arg5[%arg0, %mul3A_26, %dma_start3A_29] : memref<2x10112x128xf32, #tpu.memory_space<hbm>> -> memref<1x128x128xf32, #tpu.memory_space<hbm>>
          %dma_start3A_31 = tpu.memref_squeeze %dma_start3A_30 : memref<1x128x128xf32, #tpu.memory_space<hbm>> -> memref<128x128xf32, #tpu.memory_space<hbm>>
          tpu.enqueue_dma source(%arg7 : memref<128x128xf32, #tpu.memory_space<vmem>>) target(%dma_start3A_31 : memref<128x128xf32, #tpu.memory_space<hbm>>) target_semaphore(%run_scoped3A : memref<!tpu.dma_semaphore, #tpu.memory_space<semaphore_mem>>)
          %dma_wait3A = arith.constant 0 : i32
          %dma_wait3A_32 = tpu.memref_slice %arg5[%arg0, %mul3A_26, %dma_wait3A] : memref<2x10112x128xf32, #tpu.memory_space<hbm>> -> memref<1x128x128xf32, #tpu.memory_space<hbm>>
          %dma_wait3A_33 = tpu.memref_squeeze %dma_wait3A_32 : memref<1x128x128xf32, #tpu.memory_space<hbm>> -> memref<128x128xf32, #tpu.memory_space<hbm>>
          %dma_wait3A_34 = arith.constant 0 : i32
          %dma_wait3A_35 = tpu.memref_slice %arg5[%arg0, %mul3A_26, %dma_wait3A_34] : memref<2x10112x128xf32, #tpu.memory_space<hbm>> -> memref<1x128x128xf32, #tpu.memory_space<hbm>>
          %dma_wait3A_36 = tpu.memref_squeeze %dma_wait3A_35 : memref<1x128x128xf32, #tpu.memory_space<hbm>> -> memref<128x128xf32, #tpu.memory_space<hbm>>
          tpu.wait_dma2 semaphore(%run_scoped3A : memref<!tpu.dma_semaphore, #tpu.memory_space<semaphore_mem>>) src(%arg7 : memref<128x128xf32, #tpu.memory_space<vmem>>) dst(%dma_wait3A_36 : memref<128x128xf32, #tpu.memory_space<hbm>>)
          tpu.yield
        }) : () -> ()
      } else {
      }
    }
    %scan3A_18 = arith.constant 5 : i32
    return
  }
}

#map = affine_map<(d0, d1) -> (0, 0)>
#map1 = affine_map<(d0, d1) -> (0, 0, 0)>
module attributes {stable_mosaic.version = 14 : i64} {
  func.func @_sc_agg_body(%arg0: i32, %arg1: i32, %arg2: memref<10000x128xf32, #tpu.memory_space<hbm>>, %arg3: memref<32x160x64xi32, #tpu.memory_space<hbm>>, %arg4: memref<32x160x64xi32, #tpu.memory_space<hbm>>, %arg5: memref<64x128xf32, #tpu.memory_space<hbm>>, %arg6: memref<2x10112x128xf32, #tpu.memory_space<hbm>>, %arg7: memref<64xi32, #tpu.memory_space<vmem>>, %arg8: memref<64xi32, #tpu.memory_space<vmem>>, %arg9: memref<64x128xf32, #tpu.memory_space<vmem>>, %arg10: memref<!tpu.dma_semaphore, #tpu.memory_space<semaphore_mem>>, %arg11: memref<64xi32, #tpu.memory_space<vmem>>, %arg12: memref<64xi32, #tpu.memory_space<vmem>>, %arg13: memref<64x128xf32, #tpu.memory_space<vmem>>, %arg14: memref<!tpu.dma_semaphore, #tpu.memory_space<semaphore_mem>>, %arg15: memref<10112x128xf32, #tpu.memory_space<vmem_shared>>) attributes {dimension_semantics = [#tpu.dimension_semantics<core_parallel>, #tpu.dimension_semantics<subcore_parallel>], iteration_bounds = array<i64: 2, 16>, scalar_prefetch = 0 : i64, scratch_operands = 9 : i64, tpu.core_type = #tpu.core_type<sc_vector_subcore>, window_params = [{transform_indices = #map}, {transform_indices = #map1}, {transform_indices = #map1}, {transform_indices = #map}, {transform_indices = #map1}]} {
    %mul3A = arith.constant 2 : i32
    %mul3A_0 = arith.muli %arg1, %mul3A : i32
    %add3A = arith.addi %mul3A_0, %arg0 : i32
    "tpu.region"() ({
      %run_scoped3A_22 = tpu.sem_alloc : memref<!tpu.dma_semaphore, #tpu.memory_space<semaphore_mem>>
      tpu.enqueue_dma source(%arg5 : memref<64x128xf32, #tpu.memory_space<hbm>>) target(%arg9 : memref<64x128xf32, #tpu.memory_space<vmem>>) target_semaphore(%run_scoped3A_22 : memref<!tpu.dma_semaphore, #tpu.memory_space<semaphore_mem>>)
      tpu.wait_dma2 semaphore(%run_scoped3A_22 : memref<!tpu.dma_semaphore, #tpu.memory_space<semaphore_mem>>) src(%arg5 : memref<64x128xf32, #tpu.memory_space<hbm>>) dst(%arg9 : memref<64x128xf32, #tpu.memory_space<vmem>>)
      tpu.yield
    }) : () -> ()
    "tpu.region"() ({
      %run_scoped3A_22 = tpu.sem_alloc : memref<!tpu.dma_semaphore, #tpu.memory_space<semaphore_mem>>
      tpu.enqueue_dma source(%arg5 : memref<64x128xf32, #tpu.memory_space<hbm>>) target(%arg13 : memref<64x128xf32, #tpu.memory_space<vmem>>) target_semaphore(%run_scoped3A_22 : memref<!tpu.dma_semaphore, #tpu.memory_space<semaphore_mem>>)
      tpu.wait_dma2 semaphore(%run_scoped3A_22 : memref<!tpu.dma_semaphore, #tpu.memory_space<semaphore_mem>>) src(%arg5 : memref<64x128xf32, #tpu.memory_space<hbm>>) dst(%arg13 : memref<64x128xf32, #tpu.memory_space<vmem>>)
      tpu.yield
    }) : () -> ()
    %scan3A = arith.constant 0 : i32
    %scan3A_1 = arith.constant 0 : i32
    %scan3A_2 = arith.constant 10 : i32
    %scan3A_3 = arith.addi %scan3A_1, %scan3A_2 : i32
    %scan3A_4 = arith.constant 1 : i32
    scf.for %scan3A_22 = %scan3A_1 to %scan3A_3 step %scan3A_4  : i32 {
      %mul3A_23 = arith.constant 16 : i32
      %mul3A_24 = arith.muli %scan3A_22, %mul3A_23 : i32
      %add3A_25 = arith.addi %arg1, %mul3A_24 : i32
      %lt3A = arith.constant 158 : i32
      %lt3A_26 = arith.cmpi slt, %add3A_25, %lt3A : i32
      %convert_element_type3A = arith.extui %lt3A_26 : i1 to i32
      %cond3A = arith.constant 0 : i32
      %cond3A_27 = arith.cmpi ne, %convert_element_type3A, %cond3A : i32
      scf.if %cond3A_27 {
        %mul3A_28 = arith.constant 64 : i32
        %mul3A_29 = arith.muli %add3A_25, %mul3A_28 : i32
        "tpu.region"() ({
          %run_scoped3A_30 = tpu.sem_alloc : memref<!tpu.dma_semaphore, #tpu.memory_space<semaphore_mem>>
          %dma_start3A_31 = arith.constant 0 : i32
          %dma_start3A_32 = tpu.memref_slice %arg15[%mul3A_29, %dma_start3A_31] : memref<10112x128xf32, #tpu.memory_space<vmem_shared>> -> memref<64x128xf32, #tpu.memory_space<vmem_shared>>
          %dma_start3A_33 = arith.constant 0 : i32
          %dma_start3A_34 = tpu.memref_slice %arg15[%mul3A_29, %dma_start3A_33] : memref<10112x128xf32, #tpu.memory_space<vmem_shared>> -> memref<64x128xf32, #tpu.memory_space<vmem_shared>>
          tpu.enqueue_dma source(%arg9 : memref<64x128xf32, #tpu.memory_space<vmem>>) target(%dma_start3A_34 : memref<64x128xf32, #tpu.memory_space<vmem_shared>>) target_semaphore(%run_scoped3A_30 : memref<!tpu.dma_semaphore, #tpu.memory_space<semaphore_mem>>)
          %dma_wait3A = arith.constant 0 : i32
          %dma_wait3A_35 = tpu.memref_slice %arg15[%mul3A_29, %dma_wait3A] : memref<10112x128xf32, #tpu.memory_space<vmem_shared>> -> memref<64x128xf32, #tpu.memory_space<vmem_shared>>
          %dma_wait3A_36 = arith.constant 0 : i32
          %dma_wait3A_37 = tpu.memref_slice %arg15[%mul3A_29, %dma_wait3A_36] : memref<10112x128xf32, #tpu.memory_space<vmem_shared>> -> memref<64x128xf32, #tpu.memory_space<vmem_shared>>
          tpu.wait_dma2 semaphore(%run_scoped3A_30 : memref<!tpu.dma_semaphore, #tpu.memory_space<semaphore_mem>>) src(%arg9 : memref<64x128xf32, #tpu.memory_space<vmem>>) dst(%dma_wait3A_37 : memref<64x128xf32, #tpu.memory_space<vmem_shared>>)
          tpu.yield
        }) : () -> ()
      } else {
      }
    }
    %scan3A_5 = arith.constant 10 : i32
    %barrier3A = arith.constant 0 : index
    tpu.barrier barrier_id(%barrier3A)
    %run_scoped3A = arith.constant 0 : i32
    "tpu.region"() ({
      %run_scoped3A_22 = tpu.sem_alloc : memref<!tpu.dma_semaphore, #tpu.memory_space<semaphore_mem>>
      %dma_start3A_23 = arith.constant 0 : i32
      %dma_start3A_24 = tpu.memref_slice %arg3[%add3A, %run_scoped3A, %dma_start3A_23] : memref<32x160x64xi32, #tpu.memory_space<hbm>> -> memref<1x1x64xi32, #tpu.memory_space<hbm>>
      %dma_start3A_25 = tpu.memref_squeeze %dma_start3A_24 : memref<1x1x64xi32, #tpu.memory_space<hbm>> -> memref<64xi32, #tpu.memory_space<hbm>>
      %dma_start3A_26 = arith.constant 0 : i32
      %dma_start3A_27 = tpu.memref_slice %arg3[%add3A, %run_scoped3A, %dma_start3A_26] : memref<32x160x64xi32, #tpu.memory_space<hbm>> -> memref<1x1x64xi32, #tpu.memory_space<hbm>>
      %dma_start3A_28 = tpu.memref_squeeze %dma_start3A_27 : memref<1x1x64xi32, #tpu.memory_space<hbm>> -> memref<64xi32, #tpu.memory_space<hbm>>
      tpu.enqueue_dma source(%dma_start3A_28 : memref<64xi32, #tpu.memory_space<hbm>>) target(%arg7 : memref<64xi32, #tpu.memory_space<vmem>>) target_semaphore(%run_scoped3A_22 : memref<!tpu.dma_semaphore, #tpu.memory_space<semaphore_mem>>)
      %dma_wait3A = arith.constant 0 : i32
      %dma_wait3A_29 = tpu.memref_slice %arg3[%add3A, %run_scoped3A, %dma_wait3A] : memref<32x160x64xi32, #tpu.memory_space<hbm>> -> memref<1x1x64xi32, #tpu.memory_space<hbm>>
      %dma_wait3A_30 = tpu.memref_squeeze %dma_wait3A_29 : memref<1x1x64xi32, #tpu.memory_space<hbm>> -> memref<64xi32, #tpu.memory_space<hbm>>
      %dma_wait3A_31 = arith.constant 0 : i32
      %dma_wait3A_32 = tpu.memref_slice %arg3[%add3A, %run_scoped3A, %dma_wait3A_31] : memref<32x160x64xi32, #tpu.memory_space<hbm>> -> memref<1x1x64xi32, #tpu.memory_space<hbm>>
      %dma_wait3A_33 = tpu.memref_squeeze %dma_wait3A_32 : memref<1x1x64xi32, #tpu.memory_space<hbm>> -> memref<64xi32, #tpu.memory_space<hbm>>
      tpu.wait_dma2 semaphore(%run_scoped3A_22 : memref<!tpu.dma_semaphore, #tpu.memory_space<semaphore_mem>>) src(%dma_wait3A_33 : memref<64xi32, #tpu.memory_space<hbm>>) dst(%arg7 : memref<64xi32, #tpu.memory_space<vmem>>)
      tpu.yield
    }) : () -> ()
    %run_scoped3A_6 = arith.constant 0 : i32
    "tpu.region"() ({
      %run_scoped3A_22 = tpu.sem_alloc : memref<!tpu.dma_semaphore, #tpu.memory_space<semaphore_mem>>
      %dma_start3A_23 = arith.constant 0 : i32
      %dma_start3A_24 = tpu.memref_slice %arg4[%add3A, %run_scoped3A_6, %dma_start3A_23] : memref<32x160x64xi32, #tpu.memory_space<hbm>> -> memref<1x1x64xi32, #tpu.memory_space<hbm>>
      %dma_start3A_25 = tpu.memref_squeeze %dma_start3A_24 : memref<1x1x64xi32, #tpu.memory_space<hbm>> -> memref<64xi32, #tpu.memory_space<hbm>>
      %dma_start3A_26 = arith.constant 0 : i32
      %dma_start3A_27 = tpu.memref_slice %arg4[%add3A, %run_scoped3A_6, %dma_start3A_26] : memref<32x160x64xi32, #tpu.memory_space<hbm>> -> memref<1x1x64xi32, #tpu.memory_space<hbm>>
      %dma_start3A_28 = tpu.memref_squeeze %dma_start3A_27 : memref<1x1x64xi32, #tpu.memory_space<hbm>> -> memref<64xi32, #tpu.memory_space<hbm>>
      tpu.enqueue_dma source(%dma_start3A_28 : memref<64xi32, #tpu.memory_space<hbm>>) target(%arg8 : memref<64xi32, #tpu.memory_space<vmem>>) target_semaphore(%run_scoped3A_22 : memref<!tpu.dma_semaphore, #tpu.memory_space<semaphore_mem>>)
      %dma_wait3A = arith.constant 0 : i32
      %dma_wait3A_29 = tpu.memref_slice %arg4[%add3A, %run_scoped3A_6, %dma_wait3A] : memref<32x160x64xi32, #tpu.memory_space<hbm>> -> memref<1x1x64xi32, #tpu.memory_space<hbm>>
      %dma_wait3A_30 = tpu.memref_squeeze %dma_wait3A_29 : memref<1x1x64xi32, #tpu.memory_space<hbm>> -> memref<64xi32, #tpu.memory_space<hbm>>
      %dma_wait3A_31 = arith.constant 0 : i32
      %dma_wait3A_32 = tpu.memref_slice %arg4[%add3A, %run_scoped3A_6, %dma_wait3A_31] : memref<32x160x64xi32, #tpu.memory_space<hbm>> -> memref<1x1x64xi32, #tpu.memory_space<hbm>>
      %dma_wait3A_33 = tpu.memref_squeeze %dma_wait3A_32 : memref<1x1x64xi32, #tpu.memory_space<hbm>> -> memref<64xi32, #tpu.memory_space<hbm>>
      tpu.wait_dma2 semaphore(%run_scoped3A_22 : memref<!tpu.dma_semaphore, #tpu.memory_space<semaphore_mem>>) src(%dma_wait3A_33 : memref<64xi32, #tpu.memory_space<hbm>>) dst(%arg8 : memref<64xi32, #tpu.memory_space<vmem>>)
      tpu.yield
    }) : () -> ()
    %dma_start3A = arith.constant 0 : i32
    %dma_start3A_7 = arith.constant 0 : i32
    %dma_start3A_8 = tpu.memref_slice %arg2[%dma_start3A, %dma_start3A_7] : memref<10000x128xf32, #tpu.memory_space<hbm>> -> memref<10000x128xf32, #tpu.memory_space<hbm>>
    tpu.enqueue_indirect_dma source(%dma_start3A_8 : memref<10000x128xf32, #tpu.memory_space<hbm>>) target(%arg9 : memref<64x128xf32, #tpu.memory_space<vmem>>) offsets(%arg7 : memref<64xi32, #tpu.memory_space<vmem>>) semaphore(%arg10 : memref<!tpu.dma_semaphore, #tpu.memory_space<semaphore_mem>>)
    %scan3A_9 = arith.constant 0 : i32
    %scan3A_10 = arith.constant 0 : i32
    %scan3A_11 = arith.constant 80 : i32
    %scan3A_12 = arith.addi %scan3A_10, %scan3A_11 : i32
    %scan3A_13 = arith.constant 1 : i32
    scf.for %scan3A_22 = %scan3A_10 to %scan3A_12 step %scan3A_13  : i32 {
      %mul3A_23 = arith.constant 2 : i32
      %mul3A_24 = arith.muli %mul3A_23, %scan3A_22 : i32
      %add3A_25 = arith.constant 1 : i32
      %add3A_26 = arith.addi %mul3A_24, %add3A_25 : i32
      "tpu.region"() ({
        %run_scoped3A_39 = tpu.sem_alloc : memref<!tpu.dma_semaphore, #tpu.memory_space<semaphore_mem>>
        %dma_start3A_40 = arith.constant 0 : i32
        %dma_start3A_41 = tpu.memref_slice %arg3[%add3A, %add3A_26, %dma_start3A_40] : memref<32x160x64xi32, #tpu.memory_space<hbm>> -> memref<1x1x64xi32, #tpu.memory_space<hbm>>
        %dma_start3A_42 = tpu.memref_squeeze %dma_start3A_41 : memref<1x1x64xi32, #tpu.memory_space<hbm>> -> memref<64xi32, #tpu.memory_space<hbm>>
        %dma_start3A_43 = arith.constant 0 : i32
        %dma_start3A_44 = tpu.memref_slice %arg3[%add3A, %add3A_26, %dma_start3A_43] : memref<32x160x64xi32, #tpu.memory_space<hbm>> -> memref<1x1x64xi32, #tpu.memory_space<hbm>>
        %dma_start3A_45 = tpu.memref_squeeze %dma_start3A_44 : memref<1x1x64xi32, #tpu.memory_space<hbm>> -> memref<64xi32, #tpu.memory_space<hbm>>
        tpu.enqueue_dma source(%dma_start3A_45 : memref<64xi32, #tpu.memory_space<hbm>>) target(%arg11 : memref<64xi32, #tpu.memory_space<vmem>>) target_semaphore(%run_scoped3A_39 : memref<!tpu.dma_semaphore, #tpu.memory_space<semaphore_mem>>)
        %dma_wait3A_46 = arith.constant 0 : i32
        %dma_wait3A_47 = tpu.memref_slice %arg3[%add3A, %add3A_26, %dma_wait3A_46] : memref<32x160x64xi32, #tpu.memory_space<hbm>> -> memref<1x1x64xi32, #tpu.memory_space<hbm>>
        %dma_wait3A_48 = tpu.memref_squeeze %dma_wait3A_47 : memref<1x1x64xi32, #tpu.memory_space<hbm>> -> memref<64xi32, #tpu.memory_space<hbm>>
        %dma_wait3A_49 = arith.constant 0 : i32
        %dma_wait3A_50 = tpu.memref_slice %arg3[%add3A, %add3A_26, %dma_wait3A_49] : memref<32x160x64xi32, #tpu.memory_space<hbm>> -> memref<1x1x64xi32, #tpu.memory_space<hbm>>
        %dma_wait3A_51 = tpu.memref_squeeze %dma_wait3A_50 : memref<1x1x64xi32, #tpu.memory_space<hbm>> -> memref<64xi32, #tpu.memory_space<hbm>>
        tpu.wait_dma2 semaphore(%run_scoped3A_39 : memref<!tpu.dma_semaphore, #tpu.memory_space<semaphore_mem>>) src(%dma_wait3A_51 : memref<64xi32, #tpu.memory_space<hbm>>) dst(%arg11 : memref<64xi32, #tpu.memory_space<vmem>>)
        tpu.yield
      }) : () -> ()
      "tpu.region"() ({
        %run_scoped3A_39 = tpu.sem_alloc : memref<!tpu.dma_semaphore, #tpu.memory_space<semaphore_mem>>
        %dma_start3A_40 = arith.constant 0 : i32
        %dma_start3A_41 = tpu.memref_slice %arg4[%add3A, %add3A_26, %dma_start3A_40] : memref<32x160x64xi32, #tpu.memory_space<hbm>> -> memref<1x1x64xi32, #tpu.memory_space<hbm>>
        %dma_start3A_42 = tpu.memref_squeeze %dma_start3A_41 : memref<1x1x64xi32, #tpu.memory_space<hbm>> -> memref<64xi32, #tpu.memory_space<hbm>>
        %dma_start3A_43 = arith.constant 0 : i32
        %dma_start3A_44 = tpu.memref_slice %arg4[%add3A, %add3A_26, %dma_start3A_43] : memref<32x160x64xi32, #tpu.memory_space<hbm>> -> memref<1x1x64xi32, #tpu.memory_space<hbm>>
        %dma_start3A_45 = tpu.memref_squeeze %dma_start3A_44 : memref<1x1x64xi32, #tpu.memory_space<hbm>> -> memref<64xi32, #tpu.memory_space<hbm>>
        tpu.enqueue_dma source(%dma_start3A_45 : memref<64xi32, #tpu.memory_space<hbm>>) target(%arg12 : memref<64xi32, #tpu.memory_space<vmem>>) target_semaphore(%run_scoped3A_39 : memref<!tpu.dma_semaphore, #tpu.memory_space<semaphore_mem>>)
        %dma_wait3A_46 = arith.constant 0 : i32
        %dma_wait3A_47 = tpu.memref_slice %arg4[%add3A, %add3A_26, %dma_wait3A_46] : memref<32x160x64xi32, #tpu.memory_space<hbm>> -> memref<1x1x64xi32, #tpu.memory_space<hbm>>
        %dma_wait3A_48 = tpu.memref_squeeze %dma_wait3A_47 : memref<1x1x64xi32, #tpu.memory_space<hbm>> -> memref<64xi32, #tpu.memory_space<hbm>>
        %dma_wait3A_49 = arith.constant 0 : i32
        %dma_wait3A_50 = tpu.memref_slice %arg4[%add3A, %add3A_26, %dma_wait3A_49] : memref<32x160x64xi32, #tpu.memory_space<hbm>> -> memref<1x1x64xi32, #tpu.memory_space<hbm>>
        %dma_wait3A_51 = tpu.memref_squeeze %dma_wait3A_50 : memref<1x1x64xi32, #tpu.memory_space<hbm>> -> memref<64xi32, #tpu.memory_space<hbm>>
        tpu.wait_dma2 semaphore(%run_scoped3A_39 : memref<!tpu.dma_semaphore, #tpu.memory_space<semaphore_mem>>) src(%dma_wait3A_51 : memref<64xi32, #tpu.memory_space<hbm>>) dst(%arg12 : memref<64xi32, #tpu.memory_space<vmem>>)
        tpu.yield
      }) : () -> ()
      %dma_start3A_27 = arith.constant 0 : i32
      %dma_start3A_28 = arith.constant 0 : i32
      %dma_start3A_29 = tpu.memref_slice %arg2[%dma_start3A_27, %dma_start3A_28] : memref<10000x128xf32, #tpu.memory_space<hbm>> -> memref<10000x128xf32, #tpu.memory_space<hbm>>
      tpu.enqueue_indirect_dma source(%dma_start3A_29 : memref<10000x128xf32, #tpu.memory_space<hbm>>) target(%arg13 : memref<64x128xf32, #tpu.memory_space<vmem>>) offsets(%arg11 : memref<64xi32, #tpu.memory_space<vmem>>) semaphore(%arg14 : memref<!tpu.dma_semaphore, #tpu.memory_space<semaphore_mem>>)
      %dma_wait3A = arith.constant 0 : i32
      %dma_wait3A_30 = arith.constant 0 : i32
      %dma_wait3A_31 = tpu.memref_slice %arg2[%dma_wait3A, %dma_wait3A_30] : memref<10000x128xf32, #tpu.memory_space<hbm>> -> memref<10000x128xf32, #tpu.memory_space<hbm>>
      tpu.wait_indirect_dma semaphore(%arg10 : memref<!tpu.dma_semaphore, #tpu.memory_space<semaphore_mem>>) src(%dma_wait3A_31 : memref<10000x128xf32, #tpu.memory_space<hbm>>) dst(%arg9 : memref<64x128xf32, #tpu.memory_space<vmem>>)
      "tpu.region"() ({
        %run_scoped3A_39 = tpu.sem_alloc : memref<!tpu.dma_semaphore, #tpu.memory_space<semaphore_mem>>
        %dma_start3A_40 = arith.constant 0 : i32
        %dma_start3A_41 = arith.constant 0 : i32
        %dma_start3A_42 = tpu.memref_slice %arg15[%dma_start3A_40, %dma_start3A_41] : memref<10112x128xf32, #tpu.memory_space<vmem_shared>> -> memref<10112x128xf32, #tpu.memory_space<vmem_shared>>
        tpu.enqueue_indirect_dma source(%arg9 : memref<64x128xf32, #tpu.memory_space<vmem>>) target(%dma_start3A_42 : memref<10112x128xf32, #tpu.memory_space<vmem_shared>>) offsets(%arg8 : memref<64xi32, #tpu.memory_space<vmem>>) semaphore(%run_scoped3A_39 : memref<!tpu.dma_semaphore, #tpu.memory_space<semaphore_mem>>) {add = true}
        %dma_wait3A_43 = arith.constant 0 : i32
        %dma_wait3A_44 = arith.constant 0 : i32
        %dma_wait3A_45 = tpu.memref_slice %arg15[%dma_wait3A_43, %dma_wait3A_44] : memref<10112x128xf32, #tpu.memory_space<vmem_shared>> -> memref<10112x128xf32, #tpu.memory_space<vmem_shared>>
        tpu.wait_indirect_dma semaphore(%run_scoped3A_39 : memref<!tpu.dma_semaphore, #tpu.memory_space<semaphore_mem>>) src(%arg9 : memref<64x128xf32, #tpu.memory_space<vmem>>) dst(%dma_wait3A_45 : memref<10112x128xf32, #tpu.memory_space<vmem_shared>>)
        tpu.yield
      }) : () -> ()
      %add3A_32 = arith.constant 1 : i32
      %add3A_33 = arith.addi %add3A_26, %add3A_32 : i32
      %lt3A = arith.constant 160 : i32
      %lt3A_34 = arith.cmpi slt, %add3A_33, %lt3A : i32
      %convert_element_type3A = arith.extui %lt3A_34 : i1 to i32
      %cond3A = arith.constant 0 : i32
      %cond3A_35 = arith.cmpi ne, %convert_element_type3A, %cond3A : i32
      scf.if %cond3A_35 {
        %add3A_39 = arith.constant 1 : i32
        %add3A_40 = arith.addi %add3A_26, %add3A_39 : i32
        "tpu.region"() ({
          %run_scoped3A_46 = tpu.sem_alloc : memref<!tpu.dma_semaphore, #tpu.memory_space<semaphore_mem>>
          %dma_start3A_47 = arith.constant 0 : i32
          %dma_start3A_48 = tpu.memref_slice %arg3[%add3A, %add3A_40, %dma_start3A_47] : memref<32x160x64xi32, #tpu.memory_space<hbm>> -> memref<1x1x64xi32, #tpu.memory_space<hbm>>
          %dma_start3A_49 = tpu.memref_squeeze %dma_start3A_48 : memref<1x1x64xi32, #tpu.memory_space<hbm>> -> memref<64xi32, #tpu.memory_space<hbm>>
          %dma_start3A_50 = arith.constant 0 : i32
          %dma_start3A_51 = tpu.memref_slice %arg3[%add3A, %add3A_40, %dma_start3A_50] : memref<32x160x64xi32, #tpu.memory_space<hbm>> -> memref<1x1x64xi32, #tpu.memory_space<hbm>>
          %dma_start3A_52 = tpu.memref_squeeze %dma_start3A_51 : memref<1x1x64xi32, #tpu.memory_space<hbm>> -> memref<64xi32, #tpu.memory_space<hbm>>
          tpu.enqueue_dma source(%dma_start3A_52 : memref<64xi32, #tpu.memory_space<hbm>>) target(%arg7 : memref<64xi32, #tpu.memory_space<vmem>>) target_semaphore(%run_scoped3A_46 : memref<!tpu.dma_semaphore, #tpu.memory_space<semaphore_mem>>)
          %dma_wait3A_53 = arith.constant 0 : i32
          %dma_wait3A_54 = tpu.memref_slice %arg3[%add3A, %add3A_40, %dma_wait3A_53] : memref<32x160x64xi32, #tpu.memory_space<hbm>> -> memref<1x1x64xi32, #tpu.memory_space<hbm>>
          %dma_wait3A_55 = tpu.memref_squeeze %dma_wait3A_54 : memref<1x1x64xi32, #tpu.memory_space<hbm>> -> memref<64xi32, #tpu.memory_space<hbm>>
          %dma_wait3A_56 = arith.constant 0 : i32
          %dma_wait3A_57 = tpu.memref_slice %arg3[%add3A, %add3A_40, %dma_wait3A_56] : memref<32x160x64xi32, #tpu.memory_space<hbm>> -> memref<1x1x64xi32, #tpu.memory_space<hbm>>
          %dma_wait3A_58 = tpu.memref_squeeze %dma_wait3A_57 : memref<1x1x64xi32, #tpu.memory_space<hbm>> -> memref<64xi32, #tpu.memory_space<hbm>>
          tpu.wait_dma2 semaphore(%run_scoped3A_46 : memref<!tpu.dma_semaphore, #tpu.memory_space<semaphore_mem>>) src(%dma_wait3A_58 : memref<64xi32, #tpu.memory_space<hbm>>) dst(%arg7 : memref<64xi32, #tpu.memory_space<vmem>>)
          tpu.yield
        }) : () -> ()
        %add3A_41 = arith.constant 1 : i32
        %add3A_42 = arith.addi %add3A_26, %add3A_41 : i32
        "tpu.region"() ({
          %run_scoped3A_46 = tpu.sem_alloc : memref<!tpu.dma_semaphore, #tpu.memory_space<semaphore_mem>>
          %dma_start3A_47 = arith.constant 0 : i32
          %dma_start3A_48 = tpu.memref_slice %arg4[%add3A, %add3A_42, %dma_start3A_47] : memref<32x160x64xi32, #tpu.memory_space<hbm>> -> memref<1x1x64xi32, #tpu.memory_space<hbm>>
          %dma_start3A_49 = tpu.memref_squeeze %dma_start3A_48 : memref<1x1x64xi32, #tpu.memory_space<hbm>> -> memref<64xi32, #tpu.memory_space<hbm>>
          %dma_start3A_50 = arith.constant 0 : i32
          %dma_start3A_51 = tpu.memref_slice %arg4[%add3A, %add3A_42, %dma_start3A_50] : memref<32x160x64xi32, #tpu.memory_space<hbm>> -> memref<1x1x64xi32, #tpu.memory_space<hbm>>
          %dma_start3A_52 = tpu.memref_squeeze %dma_start3A_51 : memref<1x1x64xi32, #tpu.memory_space<hbm>> -> memref<64xi32, #tpu.memory_space<hbm>>
          tpu.enqueue_dma source(%dma_start3A_52 : memref<64xi32, #tpu.memory_space<hbm>>) target(%arg8 : memref<64xi32, #tpu.memory_space<vmem>>) target_semaphore(%run_scoped3A_46 : memref<!tpu.dma_semaphore, #tpu.memory_space<semaphore_mem>>)
          %dma_wait3A_53 = arith.constant 0 : i32
          %dma_wait3A_54 = tpu.memref_slice %arg4[%add3A, %add3A_42, %dma_wait3A_53] : memref<32x160x64xi32, #tpu.memory_space<hbm>> -> memref<1x1x64xi32, #tpu.memory_space<hbm>>
          %dma_wait3A_55 = tpu.memref_squeeze %dma_wait3A_54 : memref<1x1x64xi32, #tpu.memory_space<hbm>> -> memref<64xi32, #tpu.memory_space<hbm>>
          %dma_wait3A_56 = arith.constant 0 : i32
          %dma_wait3A_57 = tpu.memref_slice %arg4[%add3A, %add3A_42, %dma_wait3A_56] : memref<32x160x64xi32, #tpu.memory_space<hbm>> -> memref<1x1x64xi32, #tpu.memory_space<hbm>>
          %dma_wait3A_58 = tpu.memref_squeeze %dma_wait3A_57 : memref<1x1x64xi32, #tpu.memory_space<hbm>> -> memref<64xi32, #tpu.memory_space<hbm>>
          tpu.wait_dma2 semaphore(%run_scoped3A_46 : memref<!tpu.dma_semaphore, #tpu.memory_space<semaphore_mem>>) src(%dma_wait3A_58 : memref<64xi32, #tpu.memory_space<hbm>>) dst(%arg8 : memref<64xi32, #tpu.memory_space<vmem>>)
          tpu.yield
        }) : () -> ()
        %dma_start3A_43 = arith.constant 0 : i32
        %dma_start3A_44 = arith.constant 0 : i32
        %dma_start3A_45 = tpu.memref_slice %arg2[%dma_start3A_43, %dma_start3A_44] : memref<10000x128xf32, #tpu.memory_space<hbm>> -> memref<10000x128xf32, #tpu.memory_space<hbm>>
        tpu.enqueue_indirect_dma source(%dma_start3A_45 : memref<10000x128xf32, #tpu.memory_space<hbm>>) target(%arg9 : memref<64x128xf32, #tpu.memory_space<vmem>>) offsets(%arg7 : memref<64xi32, #tpu.memory_space<vmem>>) semaphore(%arg10 : memref<!tpu.dma_semaphore, #tpu.memory_space<semaphore_mem>>)
      } else {
      }
      %dma_wait3A_36 = arith.constant 0 : i32
      %dma_wait3A_37 = arith.constant 0 : i32
      %dma_wait3A_38 = tpu.memref_slice %arg2[%dma_wait3A_36, %dma_wait3A_37] : memref<10000x128xf32, #tpu.memory_space<hbm>> -> memref<10000x128xf32, #tpu.memory_space<hbm>>
      tpu.wait_indirect_dma semaphore(%arg14 : memref<!tpu.dma_semaphore, #tpu.memory_space<semaphore_mem>>) src(%dma_wait3A_38 : memref<10000x128xf32, #tpu.memory_space<hbm>>) dst(%arg13 : memref<64x128xf32, #tpu.memory_space<vmem>>)
      "tpu.region"() ({
        %run_scoped3A_39 = tpu.sem_alloc : memref<!tpu.dma_semaphore, #tpu.memory_space<semaphore_mem>>
        %dma_start3A_40 = arith.constant 0 : i32
        %dma_start3A_41 = arith.constant 0 : i32
        %dma_start3A_42 = tpu.memref_slice %arg15[%dma_start3A_40, %dma_start3A_41] : memref<10112x128xf32, #tpu.memory_space<vmem_shared>> -> memref<10112x128xf32, #tpu.memory_space<vmem_shared>>
        tpu.enqueue_indirect_dma source(%arg13 : memref<64x128xf32, #tpu.memory_space<vmem>>) target(%dma_start3A_42 : memref<10112x128xf32, #tpu.memory_space<vmem_shared>>) offsets(%arg12 : memref<64xi32, #tpu.memory_space<vmem>>) semaphore(%run_scoped3A_39 : memref<!tpu.dma_semaphore, #tpu.memory_space<semaphore_mem>>) {add = true}
        %dma_wait3A_43 = arith.constant 0 : i32
        %dma_wait3A_44 = arith.constant 0 : i32
        %dma_wait3A_45 = tpu.memref_slice %arg15[%dma_wait3A_43, %dma_wait3A_44] : memref<10112x128xf32, #tpu.memory_space<vmem_shared>> -> memref<10112x128xf32, #tpu.memory_space<vmem_shared>>
        tpu.wait_indirect_dma semaphore(%run_scoped3A_39 : memref<!tpu.dma_semaphore, #tpu.memory_space<semaphore_mem>>) src(%arg13 : memref<64x128xf32, #tpu.memory_space<vmem>>) dst(%dma_wait3A_45 : memref<10112x128xf32, #tpu.memory_space<vmem_shared>>)
        tpu.yield
      }) : () -> ()
    }
    %scan3A_14 = arith.constant 80 : i32
    %barrier3A_15 = arith.constant 0 : index
    tpu.barrier barrier_id(%barrier3A_15)
    %scan3A_16 = arith.constant 0 : i32
    %scan3A_17 = arith.constant 0 : i32
    %scan3A_18 = arith.constant 10 : i32
    %scan3A_19 = arith.addi %scan3A_17, %scan3A_18 : i32
    %scan3A_20 = arith.constant 1 : i32
    scf.for %scan3A_22 = %scan3A_17 to %scan3A_19 step %scan3A_20  : i32 {
      %mul3A_23 = arith.constant 16 : i32
      %mul3A_24 = arith.muli %scan3A_22, %mul3A_23 : i32
      %add3A_25 = arith.addi %arg1, %mul3A_24 : i32
      %lt3A = arith.constant 158 : i32
      %lt3A_26 = arith.cmpi slt, %add3A_25, %lt3A : i32
      %convert_element_type3A = arith.extui %lt3A_26 : i1 to i32
      %cond3A = arith.constant 0 : i32
      %cond3A_27 = arith.cmpi ne, %convert_element_type3A, %cond3A : i32
      scf.if %cond3A_27 {
        %mul3A_28 = arith.constant 64 : i32
        %mul3A_29 = arith.muli %add3A_25, %mul3A_28 : i32
        "tpu.region"() ({
          %run_scoped3A_30 = tpu.sem_alloc : memref<!tpu.dma_semaphore, #tpu.memory_space<semaphore_mem>>
          %dma_start3A_31 = arith.constant 0 : i32
          %dma_start3A_32 = tpu.memref_slice %arg15[%mul3A_29, %dma_start3A_31] : memref<10112x128xf32, #tpu.memory_space<vmem_shared>> -> memref<64x128xf32, #tpu.memory_space<vmem_shared>>
          %dma_start3A_33 = arith.constant 0 : i32
          %dma_start3A_34 = tpu.memref_slice %arg15[%mul3A_29, %dma_start3A_33] : memref<10112x128xf32, #tpu.memory_space<vmem_shared>> -> memref<64x128xf32, #tpu.memory_space<vmem_shared>>
          tpu.enqueue_dma source(%dma_start3A_34 : memref<64x128xf32, #tpu.memory_space<vmem_shared>>) target(%arg9 : memref<64x128xf32, #tpu.memory_space<vmem>>) target_semaphore(%run_scoped3A_30 : memref<!tpu.dma_semaphore, #tpu.memory_space<semaphore_mem>>)
          %dma_wait3A = arith.constant 0 : i32
          %dma_wait3A_35 = tpu.memref_slice %arg15[%mul3A_29, %dma_wait3A] : memref<10112x128xf32, #tpu.memory_space<vmem_shared>> -> memref<64x128xf32, #tpu.memory_space<vmem_shared>>
          %dma_wait3A_36 = arith.constant 0 : i32
          %dma_wait3A_37 = tpu.memref_slice %arg15[%mul3A_29, %dma_wait3A_36] : memref<10112x128xf32, #tpu.memory_space<vmem_shared>> -> memref<64x128xf32, #tpu.memory_space<vmem_shared>>
          tpu.wait_dma2 semaphore(%run_scoped3A_30 : memref<!tpu.dma_semaphore, #tpu.memory_space<semaphore_mem>>) src(%dma_wait3A_37 : memref<64x128xf32, #tpu.memory_space<vmem_shared>>) dst(%arg9 : memref<64x128xf32, #tpu.memory_space<vmem>>)
          tpu.yield
        }) : () -> ()
        "tpu.region"() ({
          %run_scoped3A_30 = tpu.sem_alloc : memref<!tpu.dma_semaphore, #tpu.memory_space<semaphore_mem>>
          %dma_start3A_31 = arith.constant 0 : i32
          %dma_start3A_32 = tpu.memref_slice %arg6[%arg0, %mul3A_29, %dma_start3A_31] : memref<2x10112x128xf32, #tpu.memory_space<hbm>> -> memref<1x64x128xf32, #tpu.memory_space<hbm>>
          %dma_start3A_33 = tpu.memref_squeeze %dma_start3A_32 : memref<1x64x128xf32, #tpu.memory_space<hbm>> -> memref<64x128xf32, #tpu.memory_space<hbm>>
          %dma_start3A_34 = arith.constant 0 : i32
          %dma_start3A_35 = tpu.memref_slice %arg6[%arg0, %mul3A_29, %dma_start3A_34] : memref<2x10112x128xf32, #tpu.memory_space<hbm>> -> memref<1x64x128xf32, #tpu.memory_space<hbm>>
          %dma_start3A_36 = tpu.memref_squeeze %dma_start3A_35 : memref<1x64x128xf32, #tpu.memory_space<hbm>> -> memref<64x128xf32, #tpu.memory_space<hbm>>
          tpu.enqueue_dma source(%arg9 : memref<64x128xf32, #tpu.memory_space<vmem>>) target(%dma_start3A_36 : memref<64x128xf32, #tpu.memory_space<hbm>>) target_semaphore(%run_scoped3A_30 : memref<!tpu.dma_semaphore, #tpu.memory_space<semaphore_mem>>)
          %dma_wait3A = arith.constant 0 : i32
          %dma_wait3A_37 = tpu.memref_slice %arg6[%arg0, %mul3A_29, %dma_wait3A] : memref<2x10112x128xf32, #tpu.memory_space<hbm>> -> memref<1x64x128xf32, #tpu.memory_space<hbm>>
          %dma_wait3A_38 = tpu.memref_squeeze %dma_wait3A_37 : memref<1x64x128xf32, #tpu.memory_space<hbm>> -> memref<64x128xf32, #tpu.memory_space<hbm>>
          %dma_wait3A_39 = arith.constant 0 : i32
          %dma_wait3A_40 = tpu.memref_slice %arg6[%arg0, %mul3A_29, %dma_wait3A_39] : memref<2x10112x128xf32, #tpu.memory_space<hbm>> -> memref<1x64x128xf32, #tpu.memory_space<hbm>>
          %dma_wait3A_41 = tpu.memref_squeeze %dma_wait3A_40 : memref<1x64x128xf32, #tpu.memory_space<hbm>> -> memref<64x128xf32, #tpu.memory_space<hbm>>
          tpu.wait_dma2 semaphore(%run_scoped3A_30 : memref<!tpu.dma_semaphore, #tpu.memory_space<semaphore_mem>>) src(%arg9 : memref<64x128xf32, #tpu.memory_space<vmem>>) dst(%dma_wait3A_41 : memref<64x128xf32, #tpu.memory_space<hbm>>)
          tpu.yield
        }) : () -> ()
      } else {
      }
    }
    %scan3A_21 = arith.constant 10 : i32
    return
  }
}

#map = affine_map<(d0, d1) -> (0, 0)>
#map1 = affine_map<(d0, d1) -> (0, 0, 0)>
module attributes {stable_mosaic.version = 14 : i64} {
  func.func @_sc_agg_body(%arg0: i32, %arg1: i32, %arg2: memref<10000x128xf32, #tpu.memory_space<hbm>>, %arg3: memref<32x160x64xi32, #tpu.memory_space<hbm>>, %arg4: memref<32x160x64xi32, #tpu.memory_space<hbm>>, %arg5: memref<64x128xf32, #tpu.memory_space<hbm>>, %arg6: memref<2x10112x128xf32, #tpu.memory_space<hbm>>, %arg7: memref<64xi32, #tpu.memory_space<vmem>>, %arg8: memref<64xi32, #tpu.memory_space<vmem>>, %arg9: memref<64x128xf32, #tpu.memory_space<vmem>>, %arg10: memref<!tpu.dma_semaphore, #tpu.memory_space<semaphore_mem>>, %arg11: memref<64xi32, #tpu.memory_space<vmem>>, %arg12: memref<64xi32, #tpu.memory_space<vmem>>, %arg13: memref<64x128xf32, #tpu.memory_space<vmem>>, %arg14: memref<!tpu.dma_semaphore, #tpu.memory_space<semaphore_mem>>, %arg15: memref<10112x128xf32, #tpu.memory_space<vmem_shared>>) attributes {dimension_semantics = [#tpu.dimension_semantics<core_parallel>, #tpu.dimension_semantics<subcore_parallel>], iteration_bounds = array<i64: 2, 16>, scalar_prefetch = 0 : i64, scratch_operands = 9 : i64, tpu.core_type = #tpu.core_type<sc_vector_subcore>, window_params = [{transform_indices = #map}, {transform_indices = #map1}, {transform_indices = #map1}, {transform_indices = #map}, {transform_indices = #map1}]} {
    %mul3A = arith.constant 2 : i32
    %mul3A_0 = arith.muli %arg1, %mul3A : i32
    %add3A = arith.addi %mul3A_0, %arg0 : i32
    "tpu.region"() ({
      %run_scoped3A_22 = tpu.sem_alloc : memref<!tpu.dma_semaphore, #tpu.memory_space<semaphore_mem>>
      tpu.enqueue_dma source(%arg5 : memref<64x128xf32, #tpu.memory_space<hbm>>) target(%arg9 : memref<64x128xf32, #tpu.memory_space<vmem>>) target_semaphore(%run_scoped3A_22 : memref<!tpu.dma_semaphore, #tpu.memory_space<semaphore_mem>>)
      tpu.wait_dma2 semaphore(%run_scoped3A_22 : memref<!tpu.dma_semaphore, #tpu.memory_space<semaphore_mem>>) src(%arg5 : memref<64x128xf32, #tpu.memory_space<hbm>>) dst(%arg9 : memref<64x128xf32, #tpu.memory_space<vmem>>)
      tpu.yield
    }) : () -> ()
    "tpu.region"() ({
      %run_scoped3A_22 = tpu.sem_alloc : memref<!tpu.dma_semaphore, #tpu.memory_space<semaphore_mem>>
      tpu.enqueue_dma source(%arg5 : memref<64x128xf32, #tpu.memory_space<hbm>>) target(%arg13 : memref<64x128xf32, #tpu.memory_space<vmem>>) target_semaphore(%run_scoped3A_22 : memref<!tpu.dma_semaphore, #tpu.memory_space<semaphore_mem>>)
      tpu.wait_dma2 semaphore(%run_scoped3A_22 : memref<!tpu.dma_semaphore, #tpu.memory_space<semaphore_mem>>) src(%arg5 : memref<64x128xf32, #tpu.memory_space<hbm>>) dst(%arg13 : memref<64x128xf32, #tpu.memory_space<vmem>>)
      tpu.yield
    }) : () -> ()
    %scan3A = arith.constant 0 : i32
    %scan3A_1 = arith.constant 0 : i32
    %scan3A_2 = arith.constant 10 : i32
    %scan3A_3 = arith.addi %scan3A_1, %scan3A_2 : i32
    %scan3A_4 = arith.constant 1 : i32
    scf.for %scan3A_22 = %scan3A_1 to %scan3A_3 step %scan3A_4  : i32 {
      %mul3A_23 = arith.constant 16 : i32
      %mul3A_24 = arith.muli %scan3A_22, %mul3A_23 : i32
      %add3A_25 = arith.addi %arg1, %mul3A_24 : i32
      %lt3A = arith.constant 158 : i32
      %lt3A_26 = arith.cmpi slt, %add3A_25, %lt3A : i32
      %convert_element_type3A = arith.extui %lt3A_26 : i1 to i32
      %cond3A = arith.constant 0 : i32
      %cond3A_27 = arith.cmpi ne, %convert_element_type3A, %cond3A : i32
      scf.if %cond3A_27 {
        %mul3A_28 = arith.constant 64 : i32
        %mul3A_29 = arith.muli %add3A_25, %mul3A_28 : i32
        "tpu.region"() ({
          %run_scoped3A_30 = tpu.sem_alloc : memref<!tpu.dma_semaphore, #tpu.memory_space<semaphore_mem>>
          %dma_start3A_31 = arith.constant 0 : i32
          %dma_start3A_32 = tpu.memref_slice %arg15[%mul3A_29, %dma_start3A_31] : memref<10112x128xf32, #tpu.memory_space<vmem_shared>> -> memref<64x128xf32, #tpu.memory_space<vmem_shared>>
          %dma_start3A_33 = arith.constant 0 : i32
          %dma_start3A_34 = tpu.memref_slice %arg15[%mul3A_29, %dma_start3A_33] : memref<10112x128xf32, #tpu.memory_space<vmem_shared>> -> memref<64x128xf32, #tpu.memory_space<vmem_shared>>
          tpu.enqueue_dma source(%arg9 : memref<64x128xf32, #tpu.memory_space<vmem>>) target(%dma_start3A_34 : memref<64x128xf32, #tpu.memory_space<vmem_shared>>) target_semaphore(%run_scoped3A_30 : memref<!tpu.dma_semaphore, #tpu.memory_space<semaphore_mem>>)
          %dma_wait3A = arith.constant 0 : i32
          %dma_wait3A_35 = tpu.memref_slice %arg15[%mul3A_29, %dma_wait3A] : memref<10112x128xf32, #tpu.memory_space<vmem_shared>> -> memref<64x128xf32, #tpu.memory_space<vmem_shared>>
          %dma_wait3A_36 = arith.constant 0 : i32
          %dma_wait3A_37 = tpu.memref_slice %arg15[%mul3A_29, %dma_wait3A_36] : memref<10112x128xf32, #tpu.memory_space<vmem_shared>> -> memref<64x128xf32, #tpu.memory_space<vmem_shared>>
          tpu.wait_dma2 semaphore(%run_scoped3A_30 : memref<!tpu.dma_semaphore, #tpu.memory_space<semaphore_mem>>) src(%arg9 : memref<64x128xf32, #tpu.memory_space<vmem>>) dst(%dma_wait3A_37 : memref<64x128xf32, #tpu.memory_space<vmem_shared>>)
          tpu.yield
        }) : () -> ()
      } else {
      }
    }
    %scan3A_5 = arith.constant 10 : i32
    %barrier3A = arith.constant 0 : index
    tpu.barrier barrier_id(%barrier3A)
    %run_scoped3A = arith.constant 0 : i32
    "tpu.region"() ({
      %run_scoped3A_22 = tpu.sem_alloc : memref<!tpu.dma_semaphore, #tpu.memory_space<semaphore_mem>>
      %dma_start3A_23 = arith.constant 0 : i32
      %dma_start3A_24 = tpu.memref_slice %arg3[%add3A, %run_scoped3A, %dma_start3A_23] : memref<32x160x64xi32, #tpu.memory_space<hbm>> -> memref<1x1x64xi32, #tpu.memory_space<hbm>>
      %dma_start3A_25 = tpu.memref_squeeze %dma_start3A_24 : memref<1x1x64xi32, #tpu.memory_space<hbm>> -> memref<64xi32, #tpu.memory_space<hbm>>
      %dma_start3A_26 = arith.constant 0 : i32
      %dma_start3A_27 = tpu.memref_slice %arg3[%add3A, %run_scoped3A, %dma_start3A_26] : memref<32x160x64xi32, #tpu.memory_space<hbm>> -> memref<1x1x64xi32, #tpu.memory_space<hbm>>
      %dma_start3A_28 = tpu.memref_squeeze %dma_start3A_27 : memref<1x1x64xi32, #tpu.memory_space<hbm>> -> memref<64xi32, #tpu.memory_space<hbm>>
      tpu.enqueue_dma source(%dma_start3A_28 : memref<64xi32, #tpu.memory_space<hbm>>) target(%arg7 : memref<64xi32, #tpu.memory_space<vmem>>) target_semaphore(%run_scoped3A_22 : memref<!tpu.dma_semaphore, #tpu.memory_space<semaphore_mem>>)
      %dma_wait3A = arith.constant 0 : i32
      %dma_wait3A_29 = tpu.memref_slice %arg3[%add3A, %run_scoped3A, %dma_wait3A] : memref<32x160x64xi32, #tpu.memory_space<hbm>> -> memref<1x1x64xi32, #tpu.memory_space<hbm>>
      %dma_wait3A_30 = tpu.memref_squeeze %dma_wait3A_29 : memref<1x1x64xi32, #tpu.memory_space<hbm>> -> memref<64xi32, #tpu.memory_space<hbm>>
      %dma_wait3A_31 = arith.constant 0 : i32
      %dma_wait3A_32 = tpu.memref_slice %arg3[%add3A, %run_scoped3A, %dma_wait3A_31] : memref<32x160x64xi32, #tpu.memory_space<hbm>> -> memref<1x1x64xi32, #tpu.memory_space<hbm>>
      %dma_wait3A_33 = tpu.memref_squeeze %dma_wait3A_32 : memref<1x1x64xi32, #tpu.memory_space<hbm>> -> memref<64xi32, #tpu.memory_space<hbm>>
      tpu.wait_dma2 semaphore(%run_scoped3A_22 : memref<!tpu.dma_semaphore, #tpu.memory_space<semaphore_mem>>) src(%dma_wait3A_33 : memref<64xi32, #tpu.memory_space<hbm>>) dst(%arg7 : memref<64xi32, #tpu.memory_space<vmem>>)
      tpu.yield
    }) : () -> ()
    %run_scoped3A_6 = arith.constant 0 : i32
    "tpu.region"() ({
      %run_scoped3A_22 = tpu.sem_alloc : memref<!tpu.dma_semaphore, #tpu.memory_space<semaphore_mem>>
      %dma_start3A_23 = arith.constant 0 : i32
      %dma_start3A_24 = tpu.memref_slice %arg4[%add3A, %run_scoped3A_6, %dma_start3A_23] : memref<32x160x64xi32, #tpu.memory_space<hbm>> -> memref<1x1x64xi32, #tpu.memory_space<hbm>>
      %dma_start3A_25 = tpu.memref_squeeze %dma_start3A_24 : memref<1x1x64xi32, #tpu.memory_space<hbm>> -> memref<64xi32, #tpu.memory_space<hbm>>
      %dma_start3A_26 = arith.constant 0 : i32
      %dma_start3A_27 = tpu.memref_slice %arg4[%add3A, %run_scoped3A_6, %dma_start3A_26] : memref<32x160x64xi32, #tpu.memory_space<hbm>> -> memref<1x1x64xi32, #tpu.memory_space<hbm>>
      %dma_start3A_28 = tpu.memref_squeeze %dma_start3A_27 : memref<1x1x64xi32, #tpu.memory_space<hbm>> -> memref<64xi32, #tpu.memory_space<hbm>>
      tpu.enqueue_dma source(%dma_start3A_28 : memref<64xi32, #tpu.memory_space<hbm>>) target(%arg8 : memref<64xi32, #tpu.memory_space<vmem>>) target_semaphore(%run_scoped3A_22 : memref<!tpu.dma_semaphore, #tpu.memory_space<semaphore_mem>>)
      %dma_wait3A = arith.constant 0 : i32
      %dma_wait3A_29 = tpu.memref_slice %arg4[%add3A, %run_scoped3A_6, %dma_wait3A] : memref<32x160x64xi32, #tpu.memory_space<hbm>> -> memref<1x1x64xi32, #tpu.memory_space<hbm>>
      %dma_wait3A_30 = tpu.memref_squeeze %dma_wait3A_29 : memref<1x1x64xi32, #tpu.memory_space<hbm>> -> memref<64xi32, #tpu.memory_space<hbm>>
      %dma_wait3A_31 = arith.constant 0 : i32
      %dma_wait3A_32 = tpu.memref_slice %arg4[%add3A, %run_scoped3A_6, %dma_wait3A_31] : memref<32x160x64xi32, #tpu.memory_space<hbm>> -> memref<1x1x64xi32, #tpu.memory_space<hbm>>
      %dma_wait3A_33 = tpu.memref_squeeze %dma_wait3A_32 : memref<1x1x64xi32, #tpu.memory_space<hbm>> -> memref<64xi32, #tpu.memory_space<hbm>>
      tpu.wait_dma2 semaphore(%run_scoped3A_22 : memref<!tpu.dma_semaphore, #tpu.memory_space<semaphore_mem>>) src(%dma_wait3A_33 : memref<64xi32, #tpu.memory_space<hbm>>) dst(%arg8 : memref<64xi32, #tpu.memory_space<vmem>>)
      tpu.yield
    }) : () -> ()
    %dma_start3A = arith.constant 0 : i32
    %dma_start3A_7 = arith.constant 0 : i32
    %dma_start3A_8 = tpu.memref_slice %arg2[%dma_start3A, %dma_start3A_7] : memref<10000x128xf32, #tpu.memory_space<hbm>> -> memref<10000x128xf32, #tpu.memory_space<hbm>>
    tpu.enqueue_indirect_dma source(%dma_start3A_8 : memref<10000x128xf32, #tpu.memory_space<hbm>>) target(%arg9 : memref<64x128xf32, #tpu.memory_space<vmem>>) offsets(%arg7 : memref<64xi32, #tpu.memory_space<vmem>>) semaphore(%arg10 : memref<!tpu.dma_semaphore, #tpu.memory_space<semaphore_mem>>)
    %scan3A_9 = arith.constant 0 : i32
    %scan3A_10 = arith.constant 0 : i32
    %scan3A_11 = arith.constant 80 : i32
    %scan3A_12 = arith.addi %scan3A_10, %scan3A_11 : i32
    %scan3A_13 = arith.constant 1 : i32
    scf.for %scan3A_22 = %scan3A_10 to %scan3A_12 step %scan3A_13  : i32 {
      %mul3A_23 = arith.constant 2 : i32
      %mul3A_24 = arith.muli %mul3A_23, %scan3A_22 : i32
      %add3A_25 = arith.constant 1 : i32
      %add3A_26 = arith.addi %mul3A_24, %add3A_25 : i32
      "tpu.region"() ({
        %run_scoped3A_39 = tpu.sem_alloc : memref<!tpu.dma_semaphore, #tpu.memory_space<semaphore_mem>>
        %dma_start3A_40 = arith.constant 0 : i32
        %dma_start3A_41 = tpu.memref_slice %arg3[%add3A, %add3A_26, %dma_start3A_40] : memref<32x160x64xi32, #tpu.memory_space<hbm>> -> memref<1x1x64xi32, #tpu.memory_space<hbm>>
        %dma_start3A_42 = tpu.memref_squeeze %dma_start3A_41 : memref<1x1x64xi32, #tpu.memory_space<hbm>> -> memref<64xi32, #tpu.memory_space<hbm>>
        %dma_start3A_43 = arith.constant 0 : i32
        %dma_start3A_44 = tpu.memref_slice %arg3[%add3A, %add3A_26, %dma_start3A_43] : memref<32x160x64xi32, #tpu.memory_space<hbm>> -> memref<1x1x64xi32, #tpu.memory_space<hbm>>
        %dma_start3A_45 = tpu.memref_squeeze %dma_start3A_44 : memref<1x1x64xi32, #tpu.memory_space<hbm>> -> memref<64xi32, #tpu.memory_space<hbm>>
        tpu.enqueue_dma source(%dma_start3A_45 : memref<64xi32, #tpu.memory_space<hbm>>) target(%arg11 : memref<64xi32, #tpu.memory_space<vmem>>) target_semaphore(%run_scoped3A_39 : memref<!tpu.dma_semaphore, #tpu.memory_space<semaphore_mem>>)
        %dma_wait3A_46 = arith.constant 0 : i32
        %dma_wait3A_47 = tpu.memref_slice %arg3[%add3A, %add3A_26, %dma_wait3A_46] : memref<32x160x64xi32, #tpu.memory_space<hbm>> -> memref<1x1x64xi32, #tpu.memory_space<hbm>>
        %dma_wait3A_48 = tpu.memref_squeeze %dma_wait3A_47 : memref<1x1x64xi32, #tpu.memory_space<hbm>> -> memref<64xi32, #tpu.memory_space<hbm>>
        %dma_wait3A_49 = arith.constant 0 : i32
        %dma_wait3A_50 = tpu.memref_slice %arg3[%add3A, %add3A_26, %dma_wait3A_49] : memref<32x160x64xi32, #tpu.memory_space<hbm>> -> memref<1x1x64xi32, #tpu.memory_space<hbm>>
        %dma_wait3A_51 = tpu.memref_squeeze %dma_wait3A_50 : memref<1x1x64xi32, #tpu.memory_space<hbm>> -> memref<64xi32, #tpu.memory_space<hbm>>
        tpu.wait_dma2 semaphore(%run_scoped3A_39 : memref<!tpu.dma_semaphore, #tpu.memory_space<semaphore_mem>>) src(%dma_wait3A_51 : memref<64xi32, #tpu.memory_space<hbm>>) dst(%arg11 : memref<64xi32, #tpu.memory_space<vmem>>)
        tpu.yield
      }) : () -> ()
      "tpu.region"() ({
        %run_scoped3A_39 = tpu.sem_alloc : memref<!tpu.dma_semaphore, #tpu.memory_space<semaphore_mem>>
        %dma_start3A_40 = arith.constant 0 : i32
        %dma_start3A_41 = tpu.memref_slice %arg4[%add3A, %add3A_26, %dma_start3A_40] : memref<32x160x64xi32, #tpu.memory_space<hbm>> -> memref<1x1x64xi32, #tpu.memory_space<hbm>>
        %dma_start3A_42 = tpu.memref_squeeze %dma_start3A_41 : memref<1x1x64xi32, #tpu.memory_space<hbm>> -> memref<64xi32, #tpu.memory_space<hbm>>
        %dma_start3A_43 = arith.constant 0 : i32
        %dma_start3A_44 = tpu.memref_slice %arg4[%add3A, %add3A_26, %dma_start3A_43] : memref<32x160x64xi32, #tpu.memory_space<hbm>> -> memref<1x1x64xi32, #tpu.memory_space<hbm>>
        %dma_start3A_45 = tpu.memref_squeeze %dma_start3A_44 : memref<1x1x64xi32, #tpu.memory_space<hbm>> -> memref<64xi32, #tpu.memory_space<hbm>>
        tpu.enqueue_dma source(%dma_start3A_45 : memref<64xi32, #tpu.memory_space<hbm>>) target(%arg12 : memref<64xi32, #tpu.memory_space<vmem>>) target_semaphore(%run_scoped3A_39 : memref<!tpu.dma_semaphore, #tpu.memory_space<semaphore_mem>>)
        %dma_wait3A_46 = arith.constant 0 : i32
        %dma_wait3A_47 = tpu.memref_slice %arg4[%add3A, %add3A_26, %dma_wait3A_46] : memref<32x160x64xi32, #tpu.memory_space<hbm>> -> memref<1x1x64xi32, #tpu.memory_space<hbm>>
        %dma_wait3A_48 = tpu.memref_squeeze %dma_wait3A_47 : memref<1x1x64xi32, #tpu.memory_space<hbm>> -> memref<64xi32, #tpu.memory_space<hbm>>
        %dma_wait3A_49 = arith.constant 0 : i32
        %dma_wait3A_50 = tpu.memref_slice %arg4[%add3A, %add3A_26, %dma_wait3A_49] : memref<32x160x64xi32, #tpu.memory_space<hbm>> -> memref<1x1x64xi32, #tpu.memory_space<hbm>>
        %dma_wait3A_51 = tpu.memref_squeeze %dma_wait3A_50 : memref<1x1x64xi32, #tpu.memory_space<hbm>> -> memref<64xi32, #tpu.memory_space<hbm>>
        tpu.wait_dma2 semaphore(%run_scoped3A_39 : memref<!tpu.dma_semaphore, #tpu.memory_space<semaphore_mem>>) src(%dma_wait3A_51 : memref<64xi32, #tpu.memory_space<hbm>>) dst(%arg12 : memref<64xi32, #tpu.memory_space<vmem>>)
        tpu.yield
      }) : () -> ()
      %dma_start3A_27 = arith.constant 0 : i32
      %dma_start3A_28 = arith.constant 0 : i32
      %dma_start3A_29 = tpu.memref_slice %arg2[%dma_start3A_27, %dma_start3A_28] : memref<10000x128xf32, #tpu.memory_space<hbm>> -> memref<10000x128xf32, #tpu.memory_space<hbm>>
      tpu.enqueue_indirect_dma source(%dma_start3A_29 : memref<10000x128xf32, #tpu.memory_space<hbm>>) target(%arg13 : memref<64x128xf32, #tpu.memory_space<vmem>>) offsets(%arg11 : memref<64xi32, #tpu.memory_space<vmem>>) semaphore(%arg14 : memref<!tpu.dma_semaphore, #tpu.memory_space<semaphore_mem>>)
      %dma_wait3A = arith.constant 0 : i32
      %dma_wait3A_30 = arith.constant 0 : i32
      %dma_wait3A_31 = tpu.memref_slice %arg2[%dma_wait3A, %dma_wait3A_30] : memref<10000x128xf32, #tpu.memory_space<hbm>> -> memref<10000x128xf32, #tpu.memory_space<hbm>>
      tpu.wait_indirect_dma semaphore(%arg10 : memref<!tpu.dma_semaphore, #tpu.memory_space<semaphore_mem>>) src(%dma_wait3A_31 : memref<10000x128xf32, #tpu.memory_space<hbm>>) dst(%arg9 : memref<64x128xf32, #tpu.memory_space<vmem>>)
      "tpu.region"() ({
        %run_scoped3A_39 = tpu.sem_alloc : memref<!tpu.dma_semaphore, #tpu.memory_space<semaphore_mem>>
        %dma_start3A_40 = arith.constant 0 : i32
        %dma_start3A_41 = arith.constant 0 : i32
        %dma_start3A_42 = tpu.memref_slice %arg15[%dma_start3A_40, %dma_start3A_41] : memref<10112x128xf32, #tpu.memory_space<vmem_shared>> -> memref<10112x128xf32, #tpu.memory_space<vmem_shared>>
        tpu.enqueue_indirect_dma source(%arg9 : memref<64x128xf32, #tpu.memory_space<vmem>>) target(%dma_start3A_42 : memref<10112x128xf32, #tpu.memory_space<vmem_shared>>) offsets(%arg8 : memref<64xi32, #tpu.memory_space<vmem>>) semaphore(%run_scoped3A_39 : memref<!tpu.dma_semaphore, #tpu.memory_space<semaphore_mem>>) {add = true}
        %dma_wait3A_43 = arith.constant 0 : i32
        %dma_wait3A_44 = arith.constant 0 : i32
        %dma_wait3A_45 = tpu.memref_slice %arg15[%dma_wait3A_43, %dma_wait3A_44] : memref<10112x128xf32, #tpu.memory_space<vmem_shared>> -> memref<10112x128xf32, #tpu.memory_space<vmem_shared>>
        tpu.wait_indirect_dma semaphore(%run_scoped3A_39 : memref<!tpu.dma_semaphore, #tpu.memory_space<semaphore_mem>>) src(%arg9 : memref<64x128xf32, #tpu.memory_space<vmem>>) dst(%dma_wait3A_45 : memref<10112x128xf32, #tpu.memory_space<vmem_shared>>)
        tpu.yield
      }) : () -> ()
      %add3A_32 = arith.constant 1 : i32
      %add3A_33 = arith.addi %add3A_26, %add3A_32 : i32
      %lt3A = arith.constant 160 : i32
      %lt3A_34 = arith.cmpi slt, %add3A_33, %lt3A : i32
      %convert_element_type3A = arith.extui %lt3A_34 : i1 to i32
      %cond3A = arith.constant 0 : i32
      %cond3A_35 = arith.cmpi ne, %convert_element_type3A, %cond3A : i32
      scf.if %cond3A_35 {
        %add3A_39 = arith.constant 1 : i32
        %add3A_40 = arith.addi %add3A_26, %add3A_39 : i32
        "tpu.region"() ({
          %run_scoped3A_46 = tpu.sem_alloc : memref<!tpu.dma_semaphore, #tpu.memory_space<semaphore_mem>>
          %dma_start3A_47 = arith.constant 0 : i32
          %dma_start3A_48 = tpu.memref_slice %arg3[%add3A, %add3A_40, %dma_start3A_47] : memref<32x160x64xi32, #tpu.memory_space<hbm>> -> memref<1x1x64xi32, #tpu.memory_space<hbm>>
          %dma_start3A_49 = tpu.memref_squeeze %dma_start3A_48 : memref<1x1x64xi32, #tpu.memory_space<hbm>> -> memref<64xi32, #tpu.memory_space<hbm>>
          %dma_start3A_50 = arith.constant 0 : i32
          %dma_start3A_51 = tpu.memref_slice %arg3[%add3A, %add3A_40, %dma_start3A_50] : memref<32x160x64xi32, #tpu.memory_space<hbm>> -> memref<1x1x64xi32, #tpu.memory_space<hbm>>
          %dma_start3A_52 = tpu.memref_squeeze %dma_start3A_51 : memref<1x1x64xi32, #tpu.memory_space<hbm>> -> memref<64xi32, #tpu.memory_space<hbm>>
          tpu.enqueue_dma source(%dma_start3A_52 : memref<64xi32, #tpu.memory_space<hbm>>) target(%arg7 : memref<64xi32, #tpu.memory_space<vmem>>) target_semaphore(%run_scoped3A_46 : memref<!tpu.dma_semaphore, #tpu.memory_space<semaphore_mem>>)
          %dma_wait3A_53 = arith.constant 0 : i32
          %dma_wait3A_54 = tpu.memref_slice %arg3[%add3A, %add3A_40, %dma_wait3A_53] : memref<32x160x64xi32, #tpu.memory_space<hbm>> -> memref<1x1x64xi32, #tpu.memory_space<hbm>>
          %dma_wait3A_55 = tpu.memref_squeeze %dma_wait3A_54 : memref<1x1x64xi32, #tpu.memory_space<hbm>> -> memref<64xi32, #tpu.memory_space<hbm>>
          %dma_wait3A_56 = arith.constant 0 : i32
          %dma_wait3A_57 = tpu.memref_slice %arg3[%add3A, %add3A_40, %dma_wait3A_56] : memref<32x160x64xi32, #tpu.memory_space<hbm>> -> memref<1x1x64xi32, #tpu.memory_space<hbm>>
          %dma_wait3A_58 = tpu.memref_squeeze %dma_wait3A_57 : memref<1x1x64xi32, #tpu.memory_space<hbm>> -> memref<64xi32, #tpu.memory_space<hbm>>
          tpu.wait_dma2 semaphore(%run_scoped3A_46 : memref<!tpu.dma_semaphore, #tpu.memory_space<semaphore_mem>>) src(%dma_wait3A_58 : memref<64xi32, #tpu.memory_space<hbm>>) dst(%arg7 : memref<64xi32, #tpu.memory_space<vmem>>)
          tpu.yield
        }) : () -> ()
        %add3A_41 = arith.constant 1 : i32
        %add3A_42 = arith.addi %add3A_26, %add3A_41 : i32
        "tpu.region"() ({
          %run_scoped3A_46 = tpu.sem_alloc : memref<!tpu.dma_semaphore, #tpu.memory_space<semaphore_mem>>
          %dma_start3A_47 = arith.constant 0 : i32
          %dma_start3A_48 = tpu.memref_slice %arg4[%add3A, %add3A_42, %dma_start3A_47] : memref<32x160x64xi32, #tpu.memory_space<hbm>> -> memref<1x1x64xi32, #tpu.memory_space<hbm>>
          %dma_start3A_49 = tpu.memref_squeeze %dma_start3A_48 : memref<1x1x64xi32, #tpu.memory_space<hbm>> -> memref<64xi32, #tpu.memory_space<hbm>>
          %dma_start3A_50 = arith.constant 0 : i32
          %dma_start3A_51 = tpu.memref_slice %arg4[%add3A, %add3A_42, %dma_start3A_50] : memref<32x160x64xi32, #tpu.memory_space<hbm>> -> memref<1x1x64xi32, #tpu.memory_space<hbm>>
          %dma_start3A_52 = tpu.memref_squeeze %dma_start3A_51 : memref<1x1x64xi32, #tpu.memory_space<hbm>> -> memref<64xi32, #tpu.memory_space<hbm>>
          tpu.enqueue_dma source(%dma_start3A_52 : memref<64xi32, #tpu.memory_space<hbm>>) target(%arg8 : memref<64xi32, #tpu.memory_space<vmem>>) target_semaphore(%run_scoped3A_46 : memref<!tpu.dma_semaphore, #tpu.memory_space<semaphore_mem>>)
          %dma_wait3A_53 = arith.constant 0 : i32
          %dma_wait3A_54 = tpu.memref_slice %arg4[%add3A, %add3A_42, %dma_wait3A_53] : memref<32x160x64xi32, #tpu.memory_space<hbm>> -> memref<1x1x64xi32, #tpu.memory_space<hbm>>
          %dma_wait3A_55 = tpu.memref_squeeze %dma_wait3A_54 : memref<1x1x64xi32, #tpu.memory_space<hbm>> -> memref<64xi32, #tpu.memory_space<hbm>>
          %dma_wait3A_56 = arith.constant 0 : i32
          %dma_wait3A_57 = tpu.memref_slice %arg4[%add3A, %add3A_42, %dma_wait3A_56] : memref<32x160x64xi32, #tpu.memory_space<hbm>> -> memref<1x1x64xi32, #tpu.memory_space<hbm>>
          %dma_wait3A_58 = tpu.memref_squeeze %dma_wait3A_57 : memref<1x1x64xi32, #tpu.memory_space<hbm>> -> memref<64xi32, #tpu.memory_space<hbm>>
          tpu.wait_dma2 semaphore(%run_scoped3A_46 : memref<!tpu.dma_semaphore, #tpu.memory_space<semaphore_mem>>) src(%dma_wait3A_58 : memref<64xi32, #tpu.memory_space<hbm>>) dst(%arg8 : memref<64xi32, #tpu.memory_space<vmem>>)
          tpu.yield
        }) : () -> ()
        %dma_start3A_43 = arith.constant 0 : i32
        %dma_start3A_44 = arith.constant 0 : i32
        %dma_start3A_45 = tpu.memref_slice %arg2[%dma_start3A_43, %dma_start3A_44] : memref<10000x128xf32, #tpu.memory_space<hbm>> -> memref<10000x128xf32, #tpu.memory_space<hbm>>
        tpu.enqueue_indirect_dma source(%dma_start3A_45 : memref<10000x128xf32, #tpu.memory_space<hbm>>) target(%arg9 : memref<64x128xf32, #tpu.memory_space<vmem>>) offsets(%arg7 : memref<64xi32, #tpu.memory_space<vmem>>) semaphore(%arg10 : memref<!tpu.dma_semaphore, #tpu.memory_space<semaphore_mem>>)
      } else {
      }
      %dma_wait3A_36 = arith.constant 0 : i32
      %dma_wait3A_37 = arith.constant 0 : i32
      %dma_wait3A_38 = tpu.memref_slice %arg2[%dma_wait3A_36, %dma_wait3A_37] : memref<10000x128xf32, #tpu.memory_space<hbm>> -> memref<10000x128xf32, #tpu.memory_space<hbm>>
      tpu.wait_indirect_dma semaphore(%arg14 : memref<!tpu.dma_semaphore, #tpu.memory_space<semaphore_mem>>) src(%dma_wait3A_38 : memref<10000x128xf32, #tpu.memory_space<hbm>>) dst(%arg13 : memref<64x128xf32, #tpu.memory_space<vmem>>)
      "tpu.region"() ({
        %run_scoped3A_39 = tpu.sem_alloc : memref<!tpu.dma_semaphore, #tpu.memory_space<semaphore_mem>>
        %dma_start3A_40 = arith.constant 0 : i32
        %dma_start3A_41 = arith.constant 0 : i32
        %dma_start3A_42 = tpu.memref_slice %arg15[%dma_start3A_40, %dma_start3A_41] : memref<10112x128xf32, #tpu.memory_space<vmem_shared>> -> memref<10112x128xf32, #tpu.memory_space<vmem_shared>>
        tpu.enqueue_indirect_dma source(%arg13 : memref<64x128xf32, #tpu.memory_space<vmem>>) target(%dma_start3A_42 : memref<10112x128xf32, #tpu.memory_space<vmem_shared>>) offsets(%arg12 : memref<64xi32, #tpu.memory_space<vmem>>) semaphore(%run_scoped3A_39 : memref<!tpu.dma_semaphore, #tpu.memory_space<semaphore_mem>>) {add = true}
        %dma_wait3A_43 = arith.constant 0 : i32
        %dma_wait3A_44 = arith.constant 0 : i32
        %dma_wait3A_45 = tpu.memref_slice %arg15[%dma_wait3A_43, %dma_wait3A_44] : memref<10112x128xf32, #tpu.memory_space<vmem_shared>> -> memref<10112x128xf32, #tpu.memory_space<vmem_shared>>
        tpu.wait_indirect_dma semaphore(%run_scoped3A_39 : memref<!tpu.dma_semaphore, #tpu.memory_space<semaphore_mem>>) src(%arg13 : memref<64x128xf32, #tpu.memory_space<vmem>>) dst(%dma_wait3A_45 : memref<10112x128xf32, #tpu.memory_space<vmem_shared>>)
        tpu.yield
      }) : () -> ()
    }
    %scan3A_14 = arith.constant 80 : i32
    %barrier3A_15 = arith.constant 0 : index
    tpu.barrier barrier_id(%barrier3A_15)
    %scan3A_16 = arith.constant 0 : i32
    %scan3A_17 = arith.constant 0 : i32
    %scan3A_18 = arith.constant 10 : i32
    %scan3A_19 = arith.addi %scan3A_17, %scan3A_18 : i32
    %scan3A_20 = arith.constant 1 : i32
    scf.for %scan3A_22 = %scan3A_17 to %scan3A_19 step %scan3A_20  : i32 {
      %mul3A_23 = arith.constant 16 : i32
      %mul3A_24 = arith.muli %scan3A_22, %mul3A_23 : i32
      %add3A_25 = arith.addi %arg1, %mul3A_24 : i32
      %lt3A = arith.constant 158 : i32
      %lt3A_26 = arith.cmpi slt, %add3A_25, %lt3A : i32
      %convert_element_type3A = arith.extui %lt3A_26 : i1 to i32
      %cond3A = arith.constant 0 : i32
      %cond3A_27 = arith.cmpi ne, %convert_element_type3A, %cond3A : i32
      scf.if %cond3A_27 {
        %mul3A_28 = arith.constant 64 : i32
        %mul3A_29 = arith.muli %add3A_25, %mul3A_28 : i32
        "tpu.region"() ({
          %run_scoped3A_30 = tpu.sem_alloc : memref<!tpu.dma_semaphore, #tpu.memory_space<semaphore_mem>>
          %dma_start3A_31 = arith.constant 0 : i32
          %dma_start3A_32 = tpu.memref_slice %arg15[%mul3A_29, %dma_start3A_31] : memref<10112x128xf32, #tpu.memory_space<vmem_shared>> -> memref<64x128xf32, #tpu.memory_space<vmem_shared>>
          %dma_start3A_33 = arith.constant 0 : i32
          %dma_start3A_34 = tpu.memref_slice %arg15[%mul3A_29, %dma_start3A_33] : memref<10112x128xf32, #tpu.memory_space<vmem_shared>> -> memref<64x128xf32, #tpu.memory_space<vmem_shared>>
          tpu.enqueue_dma source(%dma_start3A_34 : memref<64x128xf32, #tpu.memory_space<vmem_shared>>) target(%arg9 : memref<64x128xf32, #tpu.memory_space<vmem>>) target_semaphore(%run_scoped3A_30 : memref<!tpu.dma_semaphore, #tpu.memory_space<semaphore_mem>>)
          %dma_wait3A = arith.constant 0 : i32
          %dma_wait3A_35 = tpu.memref_slice %arg15[%mul3A_29, %dma_wait3A] : memref<10112x128xf32, #tpu.memory_space<vmem_shared>> -> memref<64x128xf32, #tpu.memory_space<vmem_shared>>
          %dma_wait3A_36 = arith.constant 0 : i32
          %dma_wait3A_37 = tpu.memref_slice %arg15[%mul3A_29, %dma_wait3A_36] : memref<10112x128xf32, #tpu.memory_space<vmem_shared>> -> memref<64x128xf32, #tpu.memory_space<vmem_shared>>
          tpu.wait_dma2 semaphore(%run_scoped3A_30 : memref<!tpu.dma_semaphore, #tpu.memory_space<semaphore_mem>>) src(%dma_wait3A_37 : memref<64x128xf32, #tpu.memory_space<vmem_shared>>) dst(%arg9 : memref<64x128xf32, #tpu.memory_space<vmem>>)
          tpu.yield
        }) : () -> ()
        "tpu.region"() ({
          %run_scoped3A_30 = tpu.sem_alloc : memref<!tpu.dma_semaphore, #tpu.memory_space<semaphore_mem>>
          %dma_start3A_31 = arith.constant 0 : i32
          %dma_start3A_32 = tpu.memref_slice %arg6[%arg0, %mul3A_29, %dma_start3A_31] : memref<2x10112x128xf32, #tpu.memory_space<hbm>> -> memref<1x64x128xf32, #tpu.memory_space<hbm>>
          %dma_start3A_33 = tpu.memref_squeeze %dma_start3A_32 : memref<1x64x128xf32, #tpu.memory_space<hbm>> -> memref<64x128xf32, #tpu.memory_space<hbm>>
          %dma_start3A_34 = arith.constant 0 : i32
          %dma_start3A_35 = tpu.memref_slice %arg6[%arg0, %mul3A_29, %dma_start3A_34] : memref<2x10112x128xf32, #tpu.memory_space<hbm>> -> memref<1x64x128xf32, #tpu.memory_space<hbm>>
          %dma_start3A_36 = tpu.memref_squeeze %dma_start3A_35 : memref<1x64x128xf32, #tpu.memory_space<hbm>> -> memref<64x128xf32, #tpu.memory_space<hbm>>
          tpu.enqueue_dma source(%arg9 : memref<64x128xf32, #tpu.memory_space<vmem>>) target(%dma_start3A_36 : memref<64x128xf32, #tpu.memory_space<hbm>>) target_semaphore(%run_scoped3A_30 : memref<!tpu.dma_semaphore, #tpu.memory_space<semaphore_mem>>)
          %dma_wait3A = arith.constant 0 : i32
          %dma_wait3A_37 = tpu.memref_slice %arg6[%arg0, %mul3A_29, %dma_wait3A] : memref<2x10112x128xf32, #tpu.memory_space<hbm>> -> memref<1x64x128xf32, #tpu.memory_space<hbm>>
          %dma_wait3A_38 = tpu.memref_squeeze %dma_wait3A_37 : memref<1x64x128xf32, #tpu.memory_space<hbm>> -> memref<64x128xf32, #tpu.memory_space<hbm>>
          %dma_wait3A_39 = arith.constant 0 : i32
          %dma_wait3A_40 = tpu.memref_slice %arg6[%arg0, %mul3A_29, %dma_wait3A_39] : memref<2x10112x128xf32, #tpu.memory_space<hbm>> -> memref<1x64x128xf32, #tpu.memory_space<hbm>>
          %dma_wait3A_41 = tpu.memref_squeeze %dma_wait3A_40 : memref<1x64x128xf32, #tpu.memory_space<hbm>> -> memref<64x128xf32, #tpu.memory_space<hbm>>
          tpu.wait_dma2 semaphore(%run_scoped3A_30 : memref<!tpu.dma_semaphore, #tpu.memory_space<semaphore_mem>>) src(%arg9 : memref<64x128xf32, #tpu.memory_space<vmem>>) dst(%dma_wait3A_41 : memref<64x128xf32, #tpu.memory_space<hbm>>)
          tpu.yield
        }) : () -> ()
      } else {
      }
    }
    %scan3A_21 = arith.constant 10 : i32
    return
  }
}

module attributes {stable_mosaic.version = 14 : i64} {
  func.func @_dense1_body(%arg0: i32, %arg1: memref<2x400x128xf32, #tpu.memory_space<vmem>>, %arg2: memref<2x400x128xf32, #tpu.memory_space<vmem>>, %arg3: memref<400x128xf32, #tpu.memory_space<vmem>>, %arg4: memref<128x128xf32, #tpu.memory_space<vmem>>, %arg5: memref<128xf32, #tpu.memory_space<vmem>>, %arg6: memref<128x128xf32, #tpu.memory_space<vmem>>, %arg7: memref<400x128xf32, #tpu.memory_space<vmem>>, %arg8: memref<400x1xf32, #tpu.memory_space<vmem>>) attributes {dimension_semantics = [#tpu.dimension_semantics<arbitrary>], iteration_bounds = array<i64: 25>, scalar_prefetch = 0 : i64, scratch_operands = 0 : i64, tpu.core_type = #tpu.core_type<tc>, window_params = [{transform_indices = @transform_0, window_bounds = array<i64: 2, 400, 128>}, {transform_indices = @transform_1, window_bounds = array<i64: 2, 400, 128>}, {transform_indices = @transform_2, window_bounds = array<i64: 400, 128>}, {pipeline_mode = #tpu.pipeline_mode<synchronous>, transform_indices = @transform_3, window_bounds = array<i64: 128, 128>}, {pipeline_mode = #tpu.pipeline_mode<synchronous>, transform_indices = @transform_4, window_bounds = array<i64: 128>}, {pipeline_mode = #tpu.pipeline_mode<synchronous>, transform_indices = @transform_5, window_bounds = array<i64: 128, 128>}, {transform_indices = @transform_6, window_bounds = array<i64: 400, 128>}, {transform_indices = @transform_7, window_bounds = array<i64: 400, 1>}]} {
    %get3A = arith.constant 0 : index
    %get3A_0 = arith.constant 0 : index
    %get3A_1 = arith.constant 0 : index
    %get3A_2 = vector.load %arg2[%get3A, %get3A_0, %get3A_1] : memref<2x400x128xf32, #tpu.memory_space<vmem>>, vector<1x400x1xf32>
    %get3A_3 = vector.shape_cast %get3A_2 : vector<1x400x1xf32> to vector<400xf32>
    %get3A_4 = arith.constant 1 : index
    %get3A_5 = arith.constant 0 : index
    %get3A_6 = arith.constant 0 : index
    %get3A_7 = vector.load %arg2[%get3A_4, %get3A_5, %get3A_6] : memref<2x400x128xf32, #tpu.memory_space<vmem>>, vector<1x400x1xf32>
    %get3A_8 = vector.shape_cast %get3A_7 : vector<1x400x1xf32> to vector<400xf32>
    %add3A = arith.addf %get3A_3, %get3A_8 : vector<400xf32>
    %max3A = arith.constant 1.000000e+00 : f32
    %max3A_9 = vector.broadcast %max3A : f32 to vector<400xf32>
    %max3A_10 = arith.maximumf %add3A, %max3A_9 : vector<400xf32>
    %div3A = arith.constant 1.000000e+00 : f32
    %div3A_11 = vector.broadcast %div3A : f32 to vector<400xf32>
    %div3A_12 = arith.divf %div3A_11, %max3A_10 : vector<400xf32>
    %get3A_13 = arith.constant 0 : index
    %get3A_14 = arith.constant 0 : index
    %get3A_15 = arith.constant 0 : index
    %get3A_16 = vector.load %arg1[%get3A_13, %get3A_14, %get3A_15] : memref<2x400x128xf32, #tpu.memory_space<vmem>>, vector<1x400x128xf32>
    %get3A_17 = vector.shape_cast %get3A_16 : vector<1x400x128xf32> to vector<400x128xf32>
    %get3A_18 = arith.constant 1 : index
    %get3A_19 = arith.constant 0 : index
    %get3A_20 = arith.constant 0 : index
    %get3A_21 = vector.load %arg1[%get3A_18, %get3A_19, %get3A_20] : memref<2x400x128xf32, #tpu.memory_space<vmem>>, vector<1x400x128xf32>
    %get3A_22 = vector.shape_cast %get3A_21 : vector<1x400x128xf32> to vector<400x128xf32>
    %add3A_23 = arith.addf %get3A_17, %get3A_22 : vector<400x128xf32>
    %broadcast_in_dim3A = vector.shape_cast %div3A_12 : vector<400xf32> to vector<400x1xf32>
    %mul3A = vector.broadcast %broadcast_in_dim3A : vector<400x1xf32> to vector<400x128xf32>
    %mul3A_24 = arith.mulf %add3A_23, %mul3A : vector<400x128xf32>
    %get3A_25 = arith.constant 0 : index
    %get3A_26 = arith.constant 0 : index
    %get3A_27 = vector.load %arg4[%get3A_25, %get3A_26] : memref<128x128xf32, #tpu.memory_space<vmem>>, vector<128x128xf32>
    %dot_general3A = arith.constant dense<0.000000e+00> : vector<400x128xf32>
    %dot_general3A_28 = tpu.matmul %mul3A_24, %get3A_27, %dot_general3A {dimension_numbers = #tpu.dot_dimension_numbers<[1], [1], [0], [0], [0, 0, 1, 0], [], []>, transpose_lhs_hint = false} : vector<400x128xf32>, vector<128x128xf32>, vector<400x128xf32> -> vector<400x128xf32>
    %get3A_29 = arith.constant 0 : index
    %get3A_30 = vector.load %arg5[%get3A_29] : memref<128xf32, #tpu.memory_space<vmem>>, vector<128xf32>
    %broadcast_in_dim3A_31 = vector.shape_cast %get3A_30 : vector<128xf32> to vector<1x128xf32>
    %add3A_32 = vector.broadcast %broadcast_in_dim3A_31 : vector<1x128xf32> to vector<400x128xf32>
    %add3A_33 = arith.addf %dot_general3A_28, %add3A_32 : vector<400x128xf32>
    %get3A_34 = arith.constant 0 : index
    %get3A_35 = arith.constant 0 : index
    %get3A_36 = vector.load %arg3[%get3A_34, %get3A_35] : memref<400x128xf32, #tpu.memory_space<vmem>>, vector<400x128xf32>
    %get3A_37 = arith.constant 0 : index
    %get3A_38 = arith.constant 0 : index
    %get3A_39 = vector.load %arg6[%get3A_37, %get3A_38] : memref<128x128xf32, #tpu.memory_space<vmem>>, vector<128x128xf32>
    %dot_general3A_40 = arith.constant dense<0.000000e+00> : vector<400x128xf32>
    %dot_general3A_41 = tpu.matmul %get3A_36, %get3A_39, %dot_general3A_40 {dimension_numbers = #tpu.dot_dimension_numbers<[1], [1], [0], [0], [0, 0, 1, 0], [], []>, transpose_lhs_hint = false} : vector<400x128xf32>, vector<128x128xf32>, vector<400x128xf32> -> vector<400x128xf32>
    %add3A_42 = arith.addf %add3A_33, %dot_general3A_41 : vector<400x128xf32>
    %max3A_43 = arith.constant 0.000000e+00 : f32
    %max3A_44 = vector.broadcast %max3A_43 : f32 to vector<400x128xf32>
    %max3A_45 = arith.maximumf %add3A_42, %max3A_44 : vector<400x128xf32>
    %swap3A = arith.constant 0 : index
    %swap3A_46 = arith.constant 0 : index
    %swap3A_47 = vector.load %arg7[%swap3A, %swap3A_46] : memref<400x128xf32, #tpu.memory_space<vmem>>, vector<400x128xf32>
    tpu.vector_store %arg7[%swap3A, %swap3A_46], %max3A_45 {strides = array<i32>} : memref<400x128xf32, #tpu.memory_space<vmem>>, vector<400x128xf32>,
    %broadcast_in_dim3A_48 = vector.shape_cast %div3A_12 : vector<400xf32> to vector<400x1xf32>
    %swap3A_49 = arith.constant 0 : index
    %swap3A_50 = arith.constant 0 : index
    %swap3A_51 = vector.load %arg8[%swap3A_49, %swap3A_50] : memref<400x1xf32, #tpu.memory_space<vmem>>, vector<400x1xf32>
    tpu.vector_store %arg8[%swap3A_49, %swap3A_50], %broadcast_in_dim3A_48 {strides = array<i32>} : memref<400x1xf32, #tpu.memory_space<vmem>>, vector<400x1xf32>,
    return
  }
  func.func @transform_0(%arg0: i32) -> (i32, i32, i32) {
    %c0_i32 = arith.constant 0 : i32
    %c0_i32_0 = arith.constant 0 : i32
    %c0_i32_1 = arith.constant 0 : i32
    return %c0_i32, %arg0, %c0_i32_0 : i32, i32, i32
  }
  func.func @transform_1(%arg0: i32) -> (i32, i32, i32) {
    %c0_i32 = arith.constant 0 : i32
    %c0_i32_0 = arith.constant 0 : i32
    %c0_i32_1 = arith.constant 0 : i32
    return %c0_i32, %arg0, %c0_i32_0 : i32, i32, i32
  }
  func.func @transform_2(%arg0: i32) -> (i32, i32) {
    %c0_i32 = arith.constant 0 : i32
    %c0_i32_0 = arith.constant 0 : i32
    return %arg0, %c0_i32 : i32, i32
  }
  func.func @transform_3(%arg0: i32) -> (i32, i32) {
    %c0_i32 = arith.constant 0 : i32
    %c0_i32_0 = arith.constant 0 : i32
    %c0_i32_1 = arith.constant 0 : i32
    return %c0_i32, %c0_i32_0 : i32, i32
  }
  func.func @transform_4(%arg0: i32) -> i32 {
    %c0_i32 = arith.constant 0 : i32
    %c0_i32_0 = arith.constant 0 : i32
    return %c0_i32 : i32
  }
  func.func @transform_5(%arg0: i32) -> (i32, i32) {
    %c0_i32 = arith.constant 0 : i32
    %c0_i32_0 = arith.constant 0 : i32
    %c0_i32_1 = arith.constant 0 : i32
    return %c0_i32, %c0_i32_0 : i32, i32
  }
  func.func @transform_6(%arg0: i32) -> (i32, i32) {
    %c0_i32 = arith.constant 0 : i32
    %c0_i32_0 = arith.constant 0 : i32
    return %arg0, %c0_i32 : i32, i32
  }
  func.func @transform_7(%arg0: i32) -> (i32, i32) {
    %c0_i32 = arith.constant 0 : i32
    %c0_i32_0 = arith.constant 0 : i32
    return %arg0, %c0_i32 : i32, i32
  }
}

module attributes {stable_mosaic.version = 14 : i64} {
  func.func @_dense2_body(%arg0: i32, %arg1: memref<2x400x128xf32, #tpu.memory_space<vmem>>, %arg2: memref<400x1xf32, #tpu.memory_space<vmem>>, %arg3: memref<400x128xf32, #tpu.memory_space<vmem>>, %arg4: memref<128x128xf32, #tpu.memory_space<vmem>>, %arg5: memref<128xf32, #tpu.memory_space<vmem>>, %arg6: memref<128x128xf32, #tpu.memory_space<vmem>>, %arg7: memref<400x128xf32, #tpu.memory_space<vmem>>) attributes {dimension_semantics = [#tpu.dimension_semantics<arbitrary>], iteration_bounds = array<i64: 25>, scalar_prefetch = 0 : i64, scratch_operands = 0 : i64, tpu.core_type = #tpu.core_type<tc>, window_params = [{transform_indices = @transform_0, window_bounds = array<i64: 2, 400, 128>}, {transform_indices = @transform_1, window_bounds = array<i64: 400, 1>}, {transform_indices = @transform_2, window_bounds = array<i64: 400, 128>}, {pipeline_mode = #tpu.pipeline_mode<synchronous>, transform_indices = @transform_3, window_bounds = array<i64: 128, 128>}, {pipeline_mode = #tpu.pipeline_mode<synchronous>, transform_indices = @transform_4, window_bounds = array<i64: 128>}, {pipeline_mode = #tpu.pipeline_mode<synchronous>, transform_indices = @transform_5, window_bounds = array<i64: 128, 128>}, {transform_indices = @transform_6, window_bounds = array<i64: 400, 128>}]} {
    %get3A = arith.constant 0 : index
    %get3A_0 = arith.constant 0 : index
    %get3A_1 = arith.constant 0 : index
    %get3A_2 = vector.load %arg1[%get3A, %get3A_0, %get3A_1] : memref<2x400x128xf32, #tpu.memory_space<vmem>>, vector<1x400x128xf32>
    %get3A_3 = vector.shape_cast %get3A_2 : vector<1x400x128xf32> to vector<400x128xf32>
    %get3A_4 = arith.constant 1 : index
    %get3A_5 = arith.constant 0 : index
    %get3A_6 = arith.constant 0 : index
    %get3A_7 = vector.load %arg1[%get3A_4, %get3A_5, %get3A_6] : memref<2x400x128xf32, #tpu.memory_space<vmem>>, vector<1x400x128xf32>
    %get3A_8 = vector.shape_cast %get3A_7 : vector<1x400x128xf32> to vector<400x128xf32>
    %add3A = arith.addf %get3A_3, %get3A_8 : vector<400x128xf32>
    %get3A_9 = arith.constant 0 : index
    %get3A_10 = arith.constant 0 : index
    %get3A_11 = vector.load %arg2[%get3A_9, %get3A_10] : memref<400x1xf32, #tpu.memory_space<vmem>>, vector<400x1xf32>
    %mul3A = vector.broadcast %get3A_11 : vector<400x1xf32> to vector<400x128xf32>
    %mul3A_12 = arith.mulf %add3A, %mul3A : vector<400x128xf32>
    %get3A_13 = arith.constant 0 : index
    %get3A_14 = arith.constant 0 : index
    %get3A_15 = vector.load %arg4[%get3A_13, %get3A_14] : memref<128x128xf32, #tpu.memory_space<vmem>>, vector<128x128xf32>
    %dot_general3A = arith.constant dense<0.000000e+00> : vector<400x128xf32>
    %dot_general3A_16 = tpu.matmul %mul3A_12, %get3A_15, %dot_general3A {dimension_numbers = #tpu.dot_dimension_numbers<[1], [1], [0], [0], [0, 0, 1, 0], [], []>, transpose_lhs_hint = false} : vector<400x128xf32>, vector<128x128xf32>, vector<400x128xf32> -> vector<400x128xf32>
    %get3A_17 = arith.constant 0 : index
    %get3A_18 = vector.load %arg5[%get3A_17] : memref<128xf32, #tpu.memory_space<vmem>>, vector<128xf32>
    %broadcast_in_dim3A = vector.shape_cast %get3A_18 : vector<128xf32> to vector<1x128xf32>
    %add3A_19 = vector.broadcast %broadcast_in_dim3A : vector<1x128xf32> to vector<400x128xf32>
    %add3A_20 = arith.addf %dot_general3A_16, %add3A_19 : vector<400x128xf32>
    %get3A_21 = arith.constant 0 : index
    %get3A_22 = arith.constant 0 : index
    %get3A_23 = vector.load %arg3[%get3A_21, %get3A_22] : memref<400x128xf32, #tpu.memory_space<vmem>>, vector<400x128xf32>
    %get3A_24 = arith.constant 0 : index
    %get3A_25 = arith.constant 0 : index
    %get3A_26 = vector.load %arg6[%get3A_24, %get3A_25] : memref<128x128xf32, #tpu.memory_space<vmem>>, vector<128x128xf32>
    %dot_general3A_27 = arith.constant dense<0.000000e+00> : vector<400x128xf32>
    %dot_general3A_28 = tpu.matmul %get3A_23, %get3A_26, %dot_general3A_27 {dimension_numbers = #tpu.dot_dimension_numbers<[1], [1], [0], [0], [0, 0, 1, 0], [], []>, transpose_lhs_hint = false} : vector<400x128xf32>, vector<128x128xf32>, vector<400x128xf32> -> vector<400x128xf32>
    %add3A_29 = arith.addf %add3A_20, %dot_general3A_28 : vector<400x128xf32>
    %swap3A = arith.constant 0 : index
    %swap3A_30 = arith.constant 0 : index
    %swap3A_31 = vector.load %arg7[%swap3A, %swap3A_30] : memref<400x128xf32, #tpu.memory_space<vmem>>, vector<400x128xf32>
    tpu.vector_store %arg7[%swap3A, %swap3A_30], %add3A_29 {strides = array<i32>} : memref<400x128xf32, #tpu.memory_space<vmem>>, vector<400x128xf32>,
    return
  }
  func.func @transform_0(%arg0: i32) -> (i32, i32, i32) {
    %c0_i32 = arith.constant 0 : i32
    %c0_i32_0 = arith.constant 0 : i32
    %c0_i32_1 = arith.constant 0 : i32
    return %c0_i32, %arg0, %c0_i32_0 : i32, i32, i32
  }
  func.func @transform_1(%arg0: i32) -> (i32, i32) {
    %c0_i32 = arith.constant 0 : i32
    %c0_i32_0 = arith.constant 0 : i32
    return %arg0, %c0_i32 : i32, i32
  }
  func.func @transform_2(%arg0: i32) -> (i32, i32) {
    %c0_i32 = arith.constant 0 : i32
    %c0_i32_0 = arith.constant 0 : i32
    return %arg0, %c0_i32 : i32, i32
  }
  func.func @transform_3(%arg0: i32) -> (i32, i32) {
    %c0_i32 = arith.constant 0 : i32
    %c0_i32_0 = arith.constant 0 : i32
    %c0_i32_1 = arith.constant 0 : i32
    return %c0_i32, %c0_i32_0 : i32, i32
  }
  func.func @transform_4(%arg0: i32) -> i32 {
    %c0_i32 = arith.constant 0 : i32
    %c0_i32_0 = arith.constant 0 : i32
    return %c0_i32 : i32
  }
  func.func @transform_5(%arg0: i32) -> (i32, i32) {
    %c0_i32 = arith.constant 0 : i32
    %c0_i32_0 = arith.constant 0 : i32
    %c0_i32_1 = arith.constant 0 : i32
    return %c0_i32, %c0_i32_0 : i32, i32
  }
  func.func @transform_6(%arg0: i32) -> (i32, i32) {
    %c0_i32 = arith.constant 0 : i32
    %c0_i32_0 = arith.constant 0 : i32
    return %arg0, %c0_i32 : i32, i32
  }
}

</mosaic_0001>

<sc_bundles>
// kernel: kernel.10.cloned.1.call-start
scs
__scs_entry_jumppad:
0x0: {  	(pc) =	sbr.rel $0x88, $3  }
0x1: {  	(tag) =	ssettag $0x0;
	lr =	simm.s32 $0x1  }
0x2: {  	[smem:$0x3F99] =	sst lr;
	_ =	strace $0xD0000000  }
0x3: {  	_ = 	snop  }
0x4: {  	_ = 	snop  }
0x5: {  	_ = 	snop  }
0x6: {  	_ = 	snop  }
0x7: {  	_ = 	snop  }
__scs_overlays_trampoline_lowered:
0x8: {  	[smem:$0x3FA8] =	sst s0  }
0x9: {  	[smem:$0x3FA9] =	sst s1  }
0xa: {  	[smem:$0x3FAA] =	sst s2  }
0xb: {  	[smem:$0x3FAB] =	sst s3  }
0xc: {  	[smem:$0x3FAC] =	sst s4  }
0xd: {  	[smem:$0x3FAD] =	sst s5  }
0xe: {  	[smem:$0x3FAE] =	sst s6  }
0xf: {  	[smem:$0x3FAF] =	sst s7  }
0x10: {  	[smem:$0x3FB0] =	sst s8  }
0x11: {  	[smem:$0x3FB1] =	sst s9;
	s0 =	simm.s32 @!p0 $0x0  }
0x12: {  	s1 =	sld [smem:$0x3F97];
	s0 =	simm.s32 @p0 $0x1  }
0x13: {  	[smem:$0x3FB2] =	sst s0;
	s0 =	simm.s32 @!p1 $0x0  }
0x14: {  	s2 =	sld [smem:$0x3F96];
	s0 =	simm.s32 @p1 $0x1  }
0x15: {  	[smem:$0x3FB3] =	sst s0;
	s0 =	simm.s32 @!p2 $0x0  }
0x16: {  	s3 =	sld [smem:$0x3FDB];
	s0 =	simm.s32 @p2 $0x1  }
0x17: {  	s4 =	simm.s32 $0x1BF5;
	[smem:$0x3FB5] =	sst s0  }
0x18: {  	s0 =	sld [smem:$0x3F98];
	_ =	swait.ge [sflag:s4], $0x0  }
0x19: {  	s7 =	sld [smem:$0x3F99]  }
0x1a: {  	s8 =	sadd.s32 $0xFFFFE003, lr  }
0x1b: {  	s9 =	sadd.s32 $0xFFFFFEF7, lr;
	s5 =	simm.s32 $0xFFFFFFFF;
	p2 =	slt.u32 s8, $0xFFFFF086  }
0x1c: {  	p1 =	slt.u32 s9, $0xF7A;
	s5 =	simm.s32 @!p2 $0x0  }
0x1d: {  	s5 =	simm.s32 @p1 $0x1;
	p0 =	seq.s32 s7, s2  }
0x1e: {  	s7 =	smul.u32 @!p0 $0xF7A, s2;
	p2 =	seq.s32 @!p0 s5, $0x0  }
0x1f: {  	s9 =	smul.u32 $0xF7A, s1;
	s8 =	simm.s32 @!p0 $0x1BF5;
	p2 =	por !p2, p0  }
0x20: {  	[sflag:s8] =	ssyncset.s32 @!p0 $0xFFFFF086;
	s6 =	sadd.s32 @!p0 s3, s7;
	s7 =	simm.s32 @!p0 $0x108  }
0x21: {  	s3 =	sadd.s32 s3, s9;
	s6 =	sadd.s32 @!p0 $0x88, s6;
	s7 =	simm.s32 @p2 $0x1082  }
0x22: {  	[simem:s7], [sflag:s8] =	dma.local @!p0 [hbm:s6], $0xF7A  }
0x23: {  	s9 =	sor.u32 $0xD0000000, s2;
	s6 =	simm.s32 $0x108;
	_ =	swait.ge @!p0 [sflag:s8], $0x0  }
0x24: {  	s3 =	sadd.s32 $0x88, s3;
	s6 =	simm.s32 @!p1 $0x1082;
	[sflag:s4] =	ssyncset.s32 $0xFFFFF086  }
0x25: {  	[simem:s6], [sflag:s4] =	dma.local [hbm:s3], $0xF7A  }
0x26: {  	[smem:$0x3F99] =	sst s1;
	(tag) =	ssettag s2;
	_ =	strace s9  }
0x27: {  	s1 =	sld [smem:$0x3FA9]  }
0x28: {  	s2 =	sld [smem:$0x3FAA]  }
0x29: {  	s4 =	sld [smem:$0x3FAC]  }
0x2a: {  	p0 =	seq.s32 s5, $0x0;
	s5 =	sld [smem:$0x3FAD]  }
0x2b: {  	s6 =	sld [smem:$0x3FAE]  }
0x2c: {  	s7 =	sld [smem:$0x3FAF]  }
0x2d: {  	s3 =	simm.s32 $0x108;
	s8 =	sld [smem:$0x3FB0]  }
0x2e: {  	s3 =	simm.s32 @!p0 $0x1082;
	s9 =	sld [smem:$0x3FB1]  }
0x2f: {  	lr =	sadd.s32 s0, s3;
	s0 =	sld [smem:$0x3FA8]  }
0x30: {  	s3 =	sld [smem:$0x3FAB]  }
0x31: {  	[smem:$0x3FB4] =	sst s10  }
0x32: {  	s10 =	sld [smem:$0x3FB2];
	_ =	sdelay $0x3  }
0x33: {  	p0 =	seq.s32 s10, $0x1;
	s10 =	sld [smem:$0x3FB4];
	_ =	sdelay $0x3  }
0x34: {  	[smem:$0x3FB4] =	sst s10  }
0x35: {  	s10 =	sld [smem:$0x3FB3];
	_ =	sdelay $0x3  }
0x36: {  	p1 =	seq.s32 s10, $0x1;
	s10 =	sld [smem:$0x3FB4];
	_ =	sdelay $0x3  }
0x37: {  	[smem:$0x3FB4] =	sst s10  }
0x38: {  	s10 =	sld [smem:$0x3FB5]  }
0x39: {  	_ = 	snop;
	(pc) =	sbr.ind lr, $3  }
0x3a: {  	_ = 	snop  }
0x3b: {  	_ = 	snop  }
0x3c: {  	p2 =	seq.s32 s10, $0x1;
	s10 =	sld [smem:$0x3FB4]  }
0x3d: {  	_ =	shalt  }
0x3e: {  	_ =	shalt  }
0x3f: {  	_ =	shalt  }
0x40: {  	_ =	shalt  }
0x41: {  	_ =	shalt  }
0x42: {  	_ =	shalt  }
0x43: {  	_ =	shalt  }
0x44: {  	_ =	shalt  }
0x45: {  	_ =	shalt  }
0x46: {  	_ =	shalt  }
0x47: {  	_ =	shalt  }
0x48: {  	_ =	shalt  }
0x49: {  	_ =	shalt  }
0x4a: {  	_ =	shalt  }
0x4b: {  	_ =	shalt  }
0x4c: {  	_ =	shalt  }
0x4d: {  	_ =	shalt  }
0x4e: {  	_ =	shalt  }
0x4f: {  	_ =	shalt  }
0x50: {  	_ =	shalt  }
0x51: {  	_ =	shalt  }
0x52: {  	_ =	shalt  }
0x53: {  	_ =	shalt  }
0x54: {  	_ =	shalt  }
0x55: {  	_ =	shalt  }
0x56: {  	_ =	shalt  }
0x57: {  	_ =	shalt  }
0x58: {  	_ =	shalt  }
0x59: {  	_ =	shalt  }
0x5a: {  	_ =	shalt  }
0x5b: {  	_ =	shalt  }
0x5c: {  	_ =	shalt  }
0x5d: {  	_ =	shalt  }
0x5e: {  	_ =	shalt  }
0x5f: {  	_ =	shalt  }
0x60: {  	_ =	shalt  }
0x61: {  	_ =	shalt  }
0x62: {  	_ =	shalt  }
0x63: {  	_ =	shalt  }
0x64: {  	_ =	shalt  }
0x65: {  	_ =	shalt  }
0x66: {  	_ =	shalt  }
0x67: {  	_ =	shalt  }
0x68: {  	_ =	shalt  }
0x69: {  	_ =	shalt  }
0x6a: {  	_ =	shalt  }
0x6b: {  	_ =	shalt  }
0x6c: {  	_ =	shalt  }
0x6d: {  	_ =	shalt  }
0x6e: {  	_ =	shalt  }
0x6f: {  	_ =	shalt  }
0x70: {  	_ =	shalt  }
0x71: {  	_ =	shalt  }
0x72: {  	_ =	shalt  }
0x73: {  	_ =	shalt  }
0x74: {  	_ =	shalt  }
0x75: {  	_ =	shalt  }
0x76: {  	_ =	shalt  }
0x77: {  	_ =	shalt  }
0x78: {  	_ =	shalt  }
0x79: {  	_ =	shalt  }
0x7a: {  	_ =	shalt  }
0x7b: {  	_ =	shalt  }
0x7c: {  	_ =	shalt  }
0x7d: {  	_ =	shalt  }
0x7e: {  	_ =	shalt  }
0x7f: {  	_ =	shalt  }
0x80: {  	_ =	shalt  }
0x81: {  	_ =	shalt  }
0x82: {  	_ =	shalt  }
0x83: {  	_ =	shalt  }
0x84: {  	_ =	shalt  }
0x85: {  	_ =	shalt  }
0x86: {  	_ =	shalt  }
0x87: {  	_ =	shalt  }
.Lfunc_end0:
.L_simem_size_0:
called_computation.1_lowered:
.L_overlay_start_0:
0x88: {  	s2 =	sld [smem:$0x3FD9]  }
0x89: {  	s3 =	sld [smem:$0x3FFE];
	_ =	sdelay $0x1  }
0x8a: {  	s1 =	srdreg.scid  }
0x8b: {  	s0 =	sand.u32 $0x1, s1  }
0x8c: {  	s17 =	sshll.u32 s0, $0xA;
	s2 =	sadd.s32 s3, s2  }
0x8d: {  	s2 =	sadd.s32 s2, s17  }
0x8e: {  	[smem:$0x3FC0] =	sst s2  }
0x8f: {  	_ = 	snop  }
0x90: {  	s2 =	sld [smem:$0x3FC9];
	(tm) =	ssettm $0x1  }
0x91: {  	s18 =	sld [smem:$0x3FFB];
	_ =	sdelay $0x3  }
0x92: {  	_ =	strace s18  }
0x93: {  	s3 =	sld [smem:$0x3FFC];
	_ =	sdelay $0x3  }
0x94: {  	_ =	strace s3  }
0x95: {  	s3 =	sld [smem:$0x3FFD];
	_ =	sdelay $0x3  }
0x96: {  	_ =	strace s3  }
0x97: {  	_ =	strace $0x8FFFFFFF  }
0x98: {  	s19 =	sld [smem:$0x3FDB];
	_ =	sdelay $0x1  }
0x99: {  	s4 =	simm.s32 $_scs_section_size  }
0x9a: {  	s5 =	simm.s32 $_size__tile_overlayer_lowered;
	s6 =	simm.s32 $_tile_overlayer_lowered  }
0x9b: {  	s22 =	simm.s32 $0x1BFF;
	s21 =	sshll.u32 s6, $0x1;
	s3 =	sadd.s32 s4, s19  }
0x9c: {  	s7 =	simm.s32 $0x0;
	s20 =	sshll.u32 s5, $0x1;
	s5 =	sadd.s32 s21, s3  }
0x9d: {  	[timem:s7], [sflag:s22] =	dma.local [hbm:s5], s20  }
0x9e: {  	_ =	swait.ge [sflag:s22], s20  }
0x9f: {  	s4 =	ssub.s32 $0x0, s20;
	[sflag:s22] =	ssyncset.done $0x0  }
0xa0: {  	[sflag:s22] =	ssyncadd.s32 s4;
	_ =	sdelay $0x1  }
0xa1: {  	s23 =	simm.s32 $0x1B8B  }
0xa2: {  	_ =	swait.ge [sflag:s23], $0x1  }
0xa3: {  	[sflag:s23] =	ssyncset.done $0x0  }
0xa4: {  	s25 =	simm.s32 $0x1B8E;
	s24 =	sld [smem:$0x3FFE];
	[sflag:s23] =	ssyncadd.s32 $0xFFFFFFFF  }
0xa5: {  	s26 =	simm.s32 $execute0_lowered;
	[smem:$0x3FD2] =	sst s25  }
0xa6: {  	s5 =	sshll.u32 s26, $0x1;
	_ =	strace $0x80000046;
	[dreg:$0x1] =	wrdreg $0xFFFFFFFF  }
0xa7: {  	s28 =	simm.s32 $_size_execute0_lowered;
	s3 =	sadd.s32 s3, s5;
	[dreg:$0x0] =	wrdreg $0x0  }
0xa8: {  	s5 =	sshll.u32 s28, $0x1;
	[dreg:$0x2] =	wrdreg s3  }
0xa9: {  	[dreg:$0x3] =	wrdreg s5  }
0xaa: {  	[dreg:$0x4] =	wrdreg $0xC0  }
0xab: {  	_ =	task [dreg:s7], $0x5FFFF  }
0xac: {  	[dreg:$0x1] =	wrdreg $0xFFFFFFFF  }
0xad: {  	[dreg:$0x0] =	wrdreg $0x60  }
0xae: {  	[dreg:$0x2] =	wrdreg s2  }
0xaf: {  	[dreg:$0x3] =	wrdreg s24  }
0xb0: {  	[dreg:$0x4] =	wrdreg $0x42000  }
0xb1: {  	[dreg:$0x5] =	wrdreg $0xA  }
0xb2: {  	_ =	task.clear_ibuf [dreg:s7], $0x6FFFF;
	_ =	strace $0x90000046  }
0xb3: {  	s29 =	simm.s32 $0xA;
	_ =	strace $0x80000048  }
0xb4: {  	_ =	swait.ge [sflag:s29], $0x1  }
0xb5: {  	[sflag:s29] =	ssyncadd.s32 $0xFFFFFFFF  }
0xb6: {  	_ =	strace $0x90000048  }
0xb7: {  	_ =	sfence  }
0xb8: {  	s30 =	sld [smem:$0x0];
	_ =	sdelay $0x2  }
0xb9: {  	s31 =	sshll.u32 s1, $0xD;
	s1 =	sshrl.u32 s1, $0x2  }
0xba: {  	s3 =	sand.u32 $0x4000, s31;
	s1 =	sadd.s32 s1, s30  }
0xbb: {  	s0 =	sor.u32 s3, s0;
	s1 =	sshll.u32 s1, $0x11  }
0xbc: {  	s0 =	sor.u32 s1, s0  }
0xbd: {  	s0 =	sadd.s32 $0x8F2B, s0  }
0xbe: {  	[sflag:s0] =	ssyncadd.remote.s32 $0x1  }
0xbf: {  	_ =	sfence.sel $0xFFFF  }
0xc0: {  	[dreg:$0x0] =	wrdreg $0xFFFFFFFF;
	(pc) =	sbr.abs _section_cstart, $3  }
0xc1: {  	[dreg:$0x1] =	wrdreg $0xFFFFFFFF  }
0xc2: {  	_ =	task.clear_ibuf [dreg:s7], $0x2FFFF;
	_ =	strace $0x9FFFFFFF  }
0xc3: {  	(tm) =	ssettm $0x7FFFFFFF  }
tec
execute0_lowered:
.L_overlay_start_1:
0x0: {  	(tag) =	ssettag $0x1  }
0x1: {  	s1 =	rddreg [dreg:$0x0]  }
0x2: {  	s0 =	rddreg [dreg:$0x1]  }
0x3: {  	s2 =	rddreg [dreg:$0x2];
	s4 =	simm.s32 $0x0  }
0x4: {  	s5 =	srdreg.scid;
	s3 =	stileid.u32;
	s28 =	simm.s32 $0x2200  }
0x5: {  	s29 =	simm.s32 $0x80;
	s30 =	simm.s32 $0x40;
	s31 =	simm.s32 $0x2100  }
0x6: {  	[smem:$0x7FF] =	sst s4;
	s7 =	sand.u32 $0x1, s5;
	s5 =	sadd.s32 $0x2A00, s0  }
0x7: {  	s9 =	sshll.u32 s3, $0x1;
	s6 =	sadd.s32 $0x16A00, s0;
	s10 =	sshll.u32 s3, $0xD  }
0x8: {  	s8 =	smul.u32 $0x13C000, s7;
	s9 =	sor.u32 s7, s9;
	s12 =	ssub.s32 $0x2, s7  }
0x9: {  	_ =	strace $0x80000047;
	s7 =	smul.u32 $0x5000, s9;
	s13 =	sshrl.u32 s12, $0x1  }
0xa: {  	s11 =	sadd.s32 s10, s8;
	s8 =	sadd.s32 $0x2AA00, s0;
	s14 =	ssub.s32 s12, s13  }
0xb: {  	s11 =	sshrl.u32 s11, $0x3;
	s15 =	sshrl.u32 s7, $0x3;
	s9 =	smax.u32 s14, $0x1  }
0xc: {  	s0 =	sadd.s32 s11, s0;
	s17 =	sadd.s32 s5, s15;
	[dreg:$0x6] =	wrdreg s9  }
0xd: {  	s18 =	sadd.s32 s6, s15;
	s11 =	sadd.s32 s10, s2;
	[dreg:$0x4] =	wrdreg s17  }
0xe: {  	s25 =	sor.u32 $0x90, s3;
	[dreg:$0x5] =	wrdreg s18;
	s19 =	sadd.s32 $0x40000, s11  }
0xf: {  	s26 =	sshll.u32 s25, $0xD;
	s20 =	sadd.s32 $0x60000, s11;
	[dreg:$0x7] =	wrdreg s19  }
0x10: {  	p0 =	sgt.u32 s25, $0x9D;
	s21 =	sadd.s32 $0x80000, s11;
	[dreg:$0x8] =	wrdreg s20  }
0x11: {  	s25 =	simm.s32 $0x100;
	s22 =	sadd.s32 $0xA0000, s11;
	[dreg:$0x9] =	wrdreg s21  }
0x12: {  	s12 =	sadd.s32 $0x9F0, s15;
	s23 =	sadd.s32 $0xC0000, s11;
	[dreg:$0xa] =	wrdreg s22  }
0x13: {  	s9 =	simm.s32 $0x1;
	s24 =	sadd.s32 $0xE0000, s11;
	[dreg:$0xb] =	wrdreg s23  }
0x14: {  	s16 =	sadd.s32 $0x20000, s11;
	s10 =	sadd.s32 $0x100000, s11;
	[dreg:$0xc] =	wrdreg s24  }
0x15: {  	[dreg:$0xd] =	wrdreg s10;
	s21 =	sadd.s32 s26, s2;
	s22 =	sadd.s32 s5, s12  }
0x16: {  	s23 =	sadd.s32 s6, s12;
	s24 =	sadd.s32 $0x2AE00, s0;
	s26 =	simm.s32 $0x3  }
0x17: {  	s0 =	simm.s32 $0x2180;
	s10 =	simm.s32 $0x2;
	s12 =	simm.s32 $0x0  }
.LBB2_1:
0x18: {  	[tilespmem:s25], [sflag:$0x3] =	stream.linear.gather [hbm4b:s8+s4], $0x2000, $0x38;
	[tilespmem:$0x17E00] =	vst v63  }
0x19: {  	_ =	swait.ge [sflag:s26], $0x2000  }
0x1a: {  	[sflag:s26] =	ssyncset.done $0x0  }
0x1b: {  	[sflag:s26] =	ssyncadd.s32 $0xFFFFE000  }
0x1c: {  	[tilespmem:s28], [sflag:$0x3] =	stream.linear.gather [hbm4b:s8+s4], $0x2000, $0x38;
	[tilespmem:$0x17E00] =	vst v63  }
0x1d: {  	_ =	swait.ge [sflag:s26], $0x2000  }
0x1e: {  	[sflag:s26] =	ssyncset.done $0x0  }
0x1f: {  	[sflag:s26] =	ssyncadd.s32 $0xFFFFE000  }
0x20: {  	[spmem:s11] =	stream.linear.scatter [tilespmem:s25], [sflag:$0x3], $0x2000, $0x38;
	[tilespmem:$0x17E00] =	vst v63  }
0x21: {  	_ =	swait.ge [sflag:s26], $0x2000  }
0x22: {  	[sflag:s26] =	ssyncset.done $0x0  }
0x23: {  	[sflag:s26] =	ssyncadd.s32 $0xFFFFE000  }
0x24: {  	[spmem:s16] =	stream.linear.scatter [tilespmem:s25], [sflag:$0x3], $0x2000, $0x38;
	[tilespmem:$0x17E00] =	vst v63  }
0x25: {  	_ =	swait.ge [sflag:s26], $0x2000  }
0x26: {  	[sflag:s26] =	ssyncset.done $0x0  }
0x27: {  	s13 =	rddreg [dreg:$0x7];
	[sflag:s26] =	ssyncadd.s32 $0xFFFFE000  }
0x28: {  	[spmem:s13] =	stream.linear.scatter [tilespmem:s25], [sflag:$0x3], $0x2000, $0x38;
	[tilespmem:$0x17E00] =	vst v63  }
0x29: {  	_ =	swait.ge [sflag:s26], $0x2000  }
0x2a: {  	[sflag:s26] =	ssyncset.done $0x0  }
0x2b: {  	s18 =	rddreg [dreg:$0x8];
	[sflag:s26] =	ssyncadd.s32 $0xFFFFE000  }
0x2c: {  	[spmem:s18] =	stream.linear.scatter [tilespmem:s25], [sflag:$0x3], $0x2000, $0x38;
	[tilespmem:$0x17E00] =	vst v63  }
0x2d: {  	_ =	swait.ge [sflag:s26], $0x2000  }
0x2e: {  	[sflag:s26] =	ssyncset.done $0x0  }
0x2f: {  	s19 =	rddreg [dreg:$0x9];
	[sflag:s26] =	ssyncadd.s32 $0xFFFFE000  }
0x30: {  	[spmem:s19] =	stream.linear.scatter [tilespmem:s25], [sflag:$0x3], $0x2000, $0x38;
	[tilespmem:$0x17E00] =	vst v63  }
0x31: {  	_ =	swait.ge [sflag:s26], $0x2000  }
0x32: {  	[sflag:s26] =	ssyncset.done $0x0  }
0x33: {  	s20 =	rddreg [dreg:$0xa];
	[sflag:s26] =	ssyncadd.s32 $0xFFFFE000  }
0x34: {  	[spmem:s20] =	stream.linear.scatter [tilespmem:s25], [sflag:$0x3], $0x2000, $0x38;
	[tilespmem:$0x17E00] =	vst v63  }
0x35: {  	_ =	swait.ge [sflag:s26], $0x2000  }
0x36: {  	[sflag:s26] =	ssyncset.done $0x0  }
0x37: {  	s14 =	rddreg [dreg:$0xb];
	[sflag:s26] =	ssyncadd.s32 $0xFFFFE000  }
0x38: {  	[spmem:s14] =	stream.linear.scatter [tilespmem:s25], [sflag:$0x3], $0x2000, $0x38;
	[tilespmem:$0x17E00] =	vst v63  }
0x39: {  	_ =	swait.ge [sflag:s26], $0x2000  }
0x3a: {  	[sflag:s26] =	ssyncset.done $0x0  }
0x3b: {  	s15 =	rddreg [dreg:$0xc];
	[sflag:s26] =	ssyncadd.s32 $0xFFFFE000  }
0x3c: {  	[spmem:s15] =	stream.linear.scatter [tilespmem:s25], [sflag:$0x3], $0x2000, $0x38;
	[tilespmem:$0x17E00] =	vst v63  }
0x3d: {  	_ =	swait.ge [sflag:s26], $0x2000  }
0x3e: {  	[sflag:s26] =	ssyncset.done $0x0  }
0x3f: {  	s17 =	rddreg [dreg:$0xd];
	[sflag:s26] =	ssyncadd.s32 $0xFFFFE000  }
0x40: {  	[spmem:s17] =	stream.linear.scatter [tilespmem:s25], [sflag:$0x3], $0x2000, $0x38;
	[tilespmem:$0x17E00] =	vst v63  }
0x41: {  	_ =	swait.ge [sflag:s26], $0x2000  }
0x42: {  	[sflag:s26] =	ssyncset.done $0x0  }
0x43: {  	s13 =	simm.s32 @!p0 $0x100;
	[sflag:s26] =	ssyncadd.s32 $0xFFFFE000  }
0x44: {  	[spmem:s21] =	stream.linear.scatter @!p0 [tilespmem:s13], [sflag:$0x3], $0x2000, $0x38;
	[tilespmem:$0x17E00] =	vst v63  }
0x45: {  	s13 =	simm.s32 @!p0 $0x3  }
0x46: {  	_ =	swait.ge @!p0 [sflag:s13], $0x2000  }
0x47: {  	[sflag:s13] =	ssyncset.done @!p0 $0x0  }
0x48: {  	[sflag:s13] =	ssyncadd.s32 @!p0 $0xFFFFE000  }
0x49: {  	[bflag:$0x0] =	sbarrier.arrive $0xFFFF  }
0x4a: {  	s20 =	simm.s32 $0x0;
	s18 =	rddreg [dreg:$0x4]  }
0x4b: {  	[tilespmem:s4], [sflag:$0x3] =	stream.linear.gather [hbm4b:s18+s4], $0x80, $0x38;
	[tilespmem:$0x17E00] =	vst v63  }
0x4c: {  	s14 =	sand.u32 $0x7C00, s20;
	_ =	swait.ge [sflag:s26], $0x80  }
0x4d: {  	s14 =	sadd.s32 s7, s14;
	[sflag:s26] =	ssyncset.done $0x0  }
0x4e: {  	s13 =	sand.u32 $0x300, s20;
	s19 =	rddreg [dreg:$0x5];
	[sflag:s26] =	ssyncadd.s32 $0xFFFFFF80  }
0x4f: {  	[tilespmem:s29], [sflag:$0x3] =	stream.linear.gather [hbm4b:s19+s4], $0x80, $0x38;
	[tilespmem:$0x17E00] =	vst v63  }
0x50: {  	s13 =	sor.u32 s14, s13;
	_ =	swait.ge [sflag:s26], $0x80  }
0x51: {  	s13 =	sor.u32 $0x80, s13;
	[sflag:s26] =	ssyncset.done $0x0  }
0x52: {  	s13 =	sshrl.u32 s13, $0x3;
	[sflag:s26] =	ssyncadd.s32 $0xFFFFFF80  }
0x53: {  	[tilespmem:s25], [sflag:$0x1] =	stream.indirect.gather [hbm4b:s1+s30], $0x80, s4, s30, $0xb8;
	[tilespmem:$0x17E00] =	vst v63  }
0x54: {  	s15 =	sadd.s32 s5, s13  }
0x55: {  	[tilespmem:s31], [sflag:$0x3] =	stream.linear.gather [hbm4b:s15+s4], $0x80, $0x38;
	[tilespmem:$0x17E00] =	vst v63  }
0x56: {  	_ =	swait.ge [sflag:s26], $0x80  }
0x57: {  	[sflag:s26] =	ssyncset.done $0x0  }
0x58: {  	s13 =	sadd.s32 s6, s13;
	[sflag:s26] =	ssyncadd.s32 $0xFFFFFF80  }
0x59: {  	[tilespmem:s0], [sflag:$0x3] =	stream.linear.gather [hbm4b:s13+s4], $0x80, $0x38;
	[tilespmem:$0x17E00] =	vst v63  }
0x5a: {  	_ =	swait.ge [sflag:s26], $0x80  }
0x5b: {  	[sflag:s26] =	ssyncset.done $0x0  }
0x5c: {  	[sflag:s26] =	ssyncadd.s32 $0xFFFFFF80  }
0x5d: {  	[tilespmem:s28], [sflag:$0x2] =	stream.indirect.gather [hbm4b:s1+s30], $0x80, s31, s30, $0xb8;
	[tilespmem:$0x17E00] =	vst v63  }
0x5e: {  	_ =	swait.ge [sflag:s9], $0x2000  }
0x5f: {  	s17 =	sand.u32 $0xFC00, s25;
	[sflag:s9] =	ssyncset.done $0x0  }
0x60: {  	s18 =	sand.u32 $0x300, s25;
	s13 =	sadd.s32 s7, s17;
	[sflag:s9] =	ssyncadd.s32 $0xFFFFE000  }
0x61: {  	[spmem:s2] =	stream.indirect.scatter.add.f32 [tilespmem:s25], [sflag:$0x3], $0x80, s29, s30, $0xb8;
	[tilespmem:$0x17E00] =	vst v63  }
0x62: {  	s13 =	sor.u32 s18, s13;
	_ =	swait.ge [sflag:s26], $0x2000  }
0x63: {  	s13 =	sshrl.u32 s13, $0x3;
	[sflag:s26] =	ssyncset.done $0x0  }
0x64: {  	s19 =	sadd.s32 s5, s13;
	[sflag:s26] =	ssyncadd.s32 $0xFFFFE000  }
0x65: {  	[tilespmem:s4], [sflag:$0x3] =	stream.linear.gather [hbm4b:s19+s4], $0x80, $0x38;
	[tilespmem:$0x17E00] =	vst v63  }
0x66: {  	_ =	swait.ge [sflag:s26], $0x80  }
0x67: {  	[sflag:s26] =	ssyncset.done $0x0  }
0x68: {  	s13 =	sadd.s32 s6, s13;
	[sflag:s26] =	ssyncadd.s32 $0xFFFFFF80  }
0x69: {  	[tilespmem:s29], [sflag:$0x3] =	stream.linear.gather [hbm4b:s13+s4], $0x80, $0x38;
	[tilespmem:$0x17E00] =	vst v63  }
0x6a: {  	s20 =	simm.s32 $0x100;
	_ =	swait.ge [sflag:s26], $0x80  }
0x6b: {  	s14 =	simm.s32 $0x200;
	s15 =	sand.u32 $0x7C00, s20;
	[sflag:s26] =	ssyncset.done $0x0  }
0x6c: {  	s15 =	sadd.s32 s7, s15;
	s13 =	sand.u32 $0x300, s20;
	[sflag:s26] =	ssyncadd.s32 $0xFFFFFF80  }
0x6d: {  	[tilespmem:s25], [sflag:$0x1] =	stream.indirect.gather [hbm4b:s1+s30], $0x80, s4, s30, $0xb8;
	[tilespmem:$0x17E00] =	vst v63  }
0x6e: {  	s13 =	sor.u32 s15, s13;
	s15 =	simm.s32 $0x300;
	_ =	swait.ge [sflag:s10], $0x2000  }
.LBB2_2:
0x6f: {  	p1 =	sne.s32 s15, $0x4F00  }
0x70: {  	[sflag:s10] =	ssyncset.done $0x0;
	s17 =	smov.u32 s15;
	s15 =	sadd.s32 $0x100, s15  }
0x71: {  	[sflag:s10] =	ssyncadd.s32 $0xFFFFE000  }
0x72: {  	[spmem:s2] =	stream.indirect.scatter.add.f32 [tilespmem:s28], [sflag:$0x3], $0x80, s0, s30, $0xb8;
	[tilespmem:$0x17E00] =	vst v63  }
0x73: {  	s13 =	sor.u32 $0x80, s13;
	_ =	swait.ge [sflag:s26], $0x2000  }
0x74: {  	s13 =	sshrl.u32 s13, $0x3;
	[sflag:s26] =	ssyncset.done $0x0  }
0x75: {  	s18 =	sadd.s32 s5, s13;
	[sflag:s26] =	ssyncadd.s32 $0xFFFFE000  }
0x76: {  	[tilespmem:s31], [sflag:$0x3] =	stream.linear.gather [hbm4b:s18+s4], $0x80, $0x38;
	[tilespmem:$0x17E00] =	vst v63  }
0x77: {  	_ =	swait.ge [sflag:s26], $0x80  }
0x78: {  	[sflag:s26] =	ssyncset.done $0x0  }
0x79: {  	s13 =	sadd.s32 s6, s13;
	[sflag:s26] =	ssyncadd.s32 $0xFFFFFF80  }
0x7a: {  	[tilespmem:s0], [sflag:$0x3] =	stream.linear.gather [hbm4b:s13+s4], $0x80, $0x38;
	[tilespmem:$0x17E00] =	vst v63  }
0x7b: {  	_ =	swait.ge [sflag:s26], $0x80  }
0x7c: {  	[sflag:s26] =	ssyncset.done $0x0  }
0x7d: {  	[sflag:s26] =	ssyncadd.s32 $0xFFFFFF80  }
0x7e: {  	[tilespmem:s28], [sflag:$0x2] =	stream.indirect.gather [hbm4b:s1+s30], $0x80, s31, s30, $0xb8;
	[tilespmem:$0x17E00] =	vst v63  }
0x7f: {  	_ =	swait.ge [sflag:s9], $0x2000  }
0x80: {  	[sflag:s9] =	ssyncset.done $0x0  }
0x81: {  	s18 =	sand.u32 $0x300, s14;
	s13 =	sand.u32 $0xFC00, s14;
	[sflag:s9] =	ssyncadd.s32 $0xFFFFE000  }
0x82: {  	[spmem:s2] =	stream.indirect.scatter.add.f32 [tilespmem:s25], [sflag:$0x3], $0x80, s29, s30, $0xb8;
	[tilespmem:$0x17E00] =	vst v63  }
0x83: {  	s14 =	smov.u32 s17;
	s13 =	sadd.s32 s7, s13;
	_ =	swait.ge [sflag:s26], $0x2000  }
0x84: {  	s13 =	sor.u32 s18, s13;
	[sflag:s26] =	ssyncset.done $0x0  }
0x85: {  	s13 =	sshrl.u32 s13, $0x3;
	[sflag:s26] =	ssyncadd.s32 $0xFFFFE000  }
0x86: {  	s17 =	sadd.s32 s5, s13  }
0x87: {  	[tilespmem:s4], [sflag:$0x3] =	stream.linear.gather [hbm4b:s17+s4], $0x80, $0x38;
	[tilespmem:$0x17E00] =	vst v63  }
0x88: {  	_ =	swait.ge [sflag:s26], $0x80  }
0x89: {  	s13 =	sadd.s32 s6, s13;
	[sflag:s26] =	ssyncset.done $0x0  }
0x8a: {  	[sflag:s26] =	ssyncadd.s32 $0xFFFFFF80  }
0x8b: {  	[tilespmem:s29], [sflag:$0x3] =	stream.linear.gather [hbm4b:s13+s4], $0x80, $0x38;
	[tilespmem:$0x17E00] =	vst v63  }
.Ltmp0:
0x8c: {  	s13 =	sadd.s32 $0xFFFFFF00, s14;
	_ =	swait.ge [sflag:s26], $0x80;
	(pc) =	sbr.rel @p1 .LBB2_2-.Ltmp0, $4  }
0x8d: {  	s17 =	sand.u32 $0x7C00, s13;
	[sflag:s26] =	ssyncset.done $0x0  }
0x8e: {  	s13 =	sand.u32 $0x300, s13;
	s17 =	sadd.s32 s7, s17;
	[sflag:s26] =	ssyncadd.s32 $0xFFFFFF80  }
0x8f: {  	[tilespmem:s25], [sflag:$0x1] =	stream.indirect.gather [hbm4b:s1+s30], $0x80, s4, s30, $0xb8;
	[tilespmem:$0x17E00] =	vst v63  }
0x90: {  	s13 =	sor.u32 s17, s13;
	_ =	swait.ge [sflag:s10], $0x2000  }
0x91: {  	[sflag:s10] =	ssyncset.done $0x0  }
0x92: {  	[sflag:s10] =	ssyncadd.s32 $0xFFFFE000  }
0x93: {  	[spmem:s2] =	stream.indirect.scatter.add.f32 [tilespmem:s28], [sflag:$0x3], $0x80, s0, s30, $0xb8;
	[tilespmem:$0x17E00] =	vst v63  }
0x94: {  	s13 =	sor.u32 $0x80, s13;
	_ =	swait.ge [sflag:s26], $0x2000  }
0x95: {  	s13 =	sshrl.u32 s13, $0x3;
	[sflag:s26] =	ssyncset.done $0x0  }
0x96: {  	s15 =	sadd.s32 s5, s13;
	[sflag:s26] =	ssyncadd.s32 $0xFFFFE000  }
0x97: {  	[tilespmem:s31], [sflag:$0x3] =	stream.linear.gather [hbm4b:s15+s4], $0x80, $0x38;
	[tilespmem:$0x17E00] =	vst v63  }
0x98: {  	_ =	swait.ge [sflag:s26], $0x80  }
0x99: {  	[sflag:s26] =	ssyncset.done $0x0  }
0x9a: {  	s13 =	sadd.s32 s6, s13;
	[sflag:s26] =	ssyncadd.s32 $0xFFFFFF80  }
0x9b: {  	[tilespmem:s0], [sflag:$0x3] =	stream.linear.gather [hbm4b:s13+s4], $0x80, $0x38;
	[tilespmem:$0x17E00] =	vst v63  }
0x9c: {  	_ =	swait.ge [sflag:s26], $0x80  }
0x9d: {  	[sflag:s26] =	ssyncset.done $0x0  }
0x9e: {  	[sflag:s26] =	ssyncadd.s32 $0xFFFFFF80  }
0x9f: {  	[tilespmem:s28], [sflag:$0x2] =	stream.indirect.gather [hbm4b:s1+s30], $0x80, s31, s30, $0xb8;
	[tilespmem:$0x17E00] =	vst v63  }
0xa0: {  	_ =	swait.ge [sflag:s9], $0x2000  }
0xa1: {  	s20 =	sand.u32 $0xFC00, s14;
	[sflag:s9] =	ssyncset.done $0x0  }
0xa2: {  	s15 =	sand.u32 $0x300, s14;
	s13 =	sadd.s32 s7, s20;
	[sflag:s9] =	ssyncadd.s32 $0xFFFFE000  }
0xa3: {  	[spmem:s2] =	stream.indirect.scatter.add.f32 [tilespmem:s25], [sflag:$0x3], $0x80, s29, s30, $0xb8;
	[tilespmem:$0x17E00] =	vst v63  }
0xa4: {  	s13 =	sor.u32 s15, s13;
	_ =	swait.ge [sflag:s26], $0x2000  }
0xa5: {  	s13 =	sshrl.u32 s13, $0x3;
	[sflag:s26] =	ssyncset.done $0x0  }
0xa6: {  	s17 =	sadd.s32 s5, s13;
	[sflag:s26] =	ssyncadd.s32 $0xFFFFE000  }
0xa7: {  	[tilespmem:s4], [sflag:$0x3] =	stream.linear.gather [hbm4b:s17+s4], $0x80, $0x38;
	[tilespmem:$0x17E00] =	vst v63  }
0xa8: {  	_ =	swait.ge [sflag:s26], $0x80  }
0xa9: {  	[sflag:s26] =	ssyncset.done $0x0  }
0xaa: {  	s13 =	sadd.s32 s6, s13;
	[sflag:s26] =	ssyncadd.s32 $0xFFFFFF80  }
0xab: {  	[tilespmem:s29], [sflag:$0x3] =	stream.linear.gather [hbm4b:s13+s4], $0x80, $0x38;
	[tilespmem:$0x17E00] =	vst v63  }
0xac: {  	_ =	swait.ge [sflag:s26], $0x80  }
0xad: {  	[sflag:s26] =	ssyncset.done $0x0  }
0xae: {  	[sflag:s26] =	ssyncadd.s32 $0xFFFFFF80  }
0xaf: {  	[tilespmem:s25], [sflag:$0x1] =	stream.indirect.gather [hbm4b:s1+s30], $0x80, s4, s30, $0xb8;
	[tilespmem:$0x17E00] =	vst v63  }
0xb0: {  	_ =	swait.ge [sflag:s10], $0x2000  }
0xb1: {  	[sflag:s10] =	ssyncset.done $0x0  }
0xb2: {  	[sflag:s10] =	ssyncadd.s32 $0xFFFFE000  }
0xb3: {  	[spmem:s2] =	stream.indirect.scatter.add.f32 [tilespmem:s28], [sflag:$0x3], $0x80, s0, s30, $0xb8;
	[tilespmem:$0x17E00] =	vst v63  }
0xb4: {  	_ =	swait.ge [sflag:s26], $0x2000  }
0xb5: {  	[sflag:s26] =	ssyncset.done $0x0  }
0xb6: {  	s18 =	simm.s32 $0x0;
	[sflag:s26] =	ssyncadd.s32 $0xFFFFE000  }
0xb7: {  	[tilespmem:s31], [sflag:$0x3] =	stream.linear.gather [hbm4b:s22+s18], $0x80, $0x38;
	[tilespmem:$0x17E00] =	vst v63  }
0xb8: {  	_ =	swait.ge [sflag:s26], $0x80  }
0xb9: {  	[sflag:s26] =	ssyncset.done $0x0  }
0xba: {  	[sflag:s26] =	ssyncadd.s32 $0xFFFFFF80  }
0xbb: {  	[tilespmem:s0], [sflag:$0x3] =	stream.linear.gather [hbm4b:s23+s18], $0x80, $0x38;
	[tilespmem:$0x17E00] =	vst v63  }
0xbc: {  	_ =	swait.ge [sflag:s26], $0x80  }
0xbd: {  	[sflag:s26] =	ssyncset.done $0x0  }
0xbe: {  	[sflag:s26] =	ssyncadd.s32 $0xFFFFFF80  }
0xbf: {  	[tilespmem:s28], [sflag:$0x2] =	stream.indirect.gather [hbm4b:s1+s30], $0x80, s31, s30, $0xb8;
	[tilespmem:$0x17E00] =	vst v63  }
0xc0: {  	_ =	swait.ge [sflag:s9], $0x2000  }
0xc1: {  	[sflag:s9] =	ssyncset.done $0x0  }
0xc2: {  	[sflag:s9] =	ssyncadd.s32 $0xFFFFE000  }
0xc3: {  	[spmem:s2] =	stream.indirect.scatter.add.f32 [tilespmem:s25], [sflag:$0x3], $0x80, s29, s30, $0xb8;
	[tilespmem:$0x17E00] =	vst v63  }
0xc4: {  	_ =	swait.ge [sflag:s26], $0x2000  }
0xc5: {  	[sflag:s26] =	ssyncset.done $0x0  }
0xc6: {  	[sflag:s26] =	ssyncadd.s32 $0xFFFFE000  }
0xc7: {  	_ =	swait.ge [sflag:s10], $0x2000  }
0xc8: {  	[sflag:s10] =	ssyncset.done $0x0  }
0xc9: {  	[sflag:s10] =	ssyncadd.s32 $0xFFFFE000  }
0xca: {  	[spmem:s2] =	stream.indirect.scatter.add.f32 [tilespmem:s28], [sflag:$0x3], $0x80, s0, s30, $0xb8;
	[tilespmem:$0x17E00] =	vst v63  }
0xcb: {  	s19 =	sadd.s32 $0x0, s3;
	_ =	swait.ge [sflag:s26], $0x2000  }
0xcc: {  	p1 =	sgt.u32 s19, $0x9D;
	[sflag:s26] =	ssyncset.done $0x0  }
0xcd: {  	s14 =	simm.s32 @!p1 $0x4;
	[sflag:s26] =	ssyncadd.s32 $0xFFFFE000  }
0xce: {  	s13 =	simm.s32 @!p1 $0x100;
	p1 =	por p1, p1;
	[bflag:$0x0] =	sbarrier.arrive $0xFFFF  }
0xcf: {  	[tilespmem:s13], [sflag:$0x4] =	stream.linear.gather @!p1 [spmem:s11], $0x2000, $0x38;
	[tilespmem:$0x17E00] =	vst v63  }
0xd0: {  	_ =	swait.ge @!p1 [sflag:s14], $0x2000  }
0xd1: {  	s20 =	sadd.s32 $0x10, s3;
	[sflag:s14] =	ssyncset.done @!p1 $0x0  }
0xd2: {  	s17 =	simm.s32 @!p1 $0x3;
	[sflag:s14] =	ssyncadd.s32 @!p1 $0xFFFFE000;
	s14 =	simm.s32 @!p1 $0x0  }
0xd3: {  	[hbm4b:s24+s14] =	stream.linear.scatter @!p1 [tilespmem:s13], [sflag:$0x3], $0x2000, $0x38;
	[tilespmem:$0x17E00] =	vst v63  }
0xd4: {  	s15 =	simm.s32 $0x20;
	p2 =	sgt.u32 s20, $0x9D;
	_ =	swait.ge @!p1 [sflag:s17], $0x2000  }
0xd5: {  	s14 =	sadd.s32 $0x4000, s24;
	s13 =	smov.u32 s16;
	[sflag:s17] =	ssyncset.done @!p1 $0x0  }
.LBB2_4:
0xd6: {  	s18 =	simm.s32 @!p2 $0x100;
	s19 =	simm.s32 @!p2 $0x4;
	[sflag:s17] =	ssyncadd.s32 @!p1 $0xFFFFE000  }
0xd7: {  	s20 =	smov.u32 s15;
	p1 =	por p2, p2;
	s15 =	sadd.s32 $0x10, s15  }
0xd8: {  	[tilespmem:s18], [sflag:$0x4] =	stream.linear.gather @!p1 [spmem:s13], $0x2000, $0x38;
	[tilespmem:$0x17E00] =	vst v63  }
0xd9: {  	p3 =	sne.s32 s15, $0xA0;
	_ =	swait.ge @!p1 [sflag:s19], $0x2000  }
.Ltmp1:
0xda: {  	[sflag:s19] =	ssyncset.done @!p1 $0x0;
	(pc) =	sbr.rel @p3 .LBB2_4-.Ltmp1, $4  }
0xdb: {  	s17 =	simm.s32 @!p1 $0x3;
	[sflag:s19] =	ssyncadd.s32 @!p1 $0xFFFFE000;
	s19 =	simm.s32 @!p1 $0x0  }
0xdc: {  	[hbm4b:s14+s19] =	stream.linear.scatter @!p1 [tilespmem:s18], [sflag:$0x3], $0x2000, $0x38;
	[tilespmem:$0x17E00] =	vst v63  }
0xdd: {  	s18 =	sadd.s32 s20, s3;
	s14 =	sadd.s32 $0x4000, s14;
	_ =	swait.ge @!p1 [sflag:s17], $0x2000  }
0xde: {  	s13 =	sadd.s32 $0x20000, s13;
	p2 =	sgt.u32 s18, $0x9D;
	[sflag:s17] =	ssyncset.done @!p1 $0x0  }
0xdf: {  	s15 =	simm.s32 @!p2 $0x100  }
0xe0: {  	s18 =	simm.s32 @!p2 $0x4;
	[sflag:s17] =	ssyncadd.s32 @!p1 $0xFFFFE000;
	p1 =	por p2, p2  }
0xe1: {  	[tilespmem:s15], [sflag:$0x4] =	stream.linear.gather @!p1 [spmem:s13], $0x2000, $0x38;
	[tilespmem:$0x17E00] =	vst v63  }
0xe2: {  	_ =	swait.ge @!p1 [sflag:s18], $0x2000  }
0xe3: {  	[sflag:s18] =	ssyncset.done @!p1 $0x0  }
0xe4: {  	s13 =	simm.s32 @!p1 $0x0;
	s17 =	simm.s32 @!p1 $0x3;
	[sflag:s18] =	ssyncadd.s32 @!p1 $0xFFFFE000  }
0xe5: {  	[hbm4b:s14+s13] =	stream.linear.scatter @!p1 [tilespmem:s15], [sflag:$0x3], $0x2000, $0x38;
	[tilespmem:$0x17E00] =	vst v63  }
0xe6: {  	_ =	swait.ge @!p1 [sflag:s17], $0x2000  }
0xe7: {  	s12 =	sadd.s32 $0x1, s12;
	s20 =	rddreg [dreg:$0x6]  }
0xe8: {  	p2 =	sne.s32 s12, s20  }
.Ltmp2:
0xe9: {  	_ = 	snop;
	(pc) =	sbr.rel @p2 .LBB2_1-.Ltmp2, $3  }
0xea: {  	_ =	sdelay $0x1  }
0xeb: {  	[sflag:s17] =	ssyncset.done @!p1 $0x0  }
0xec: {  	[sflag:s17] =	ssyncadd.s32 @!p1 $0xFFFFE000  }
0xed: {  	_ =	sfence.sel $0x180000  }
0xee: {  	[bflag:$0x0] =	sbarrier.arrive $0xFFFF  }
0xef: {  	_ =	strace $0x90000047  }
0xf0: {  	[bflag:$0x2] =	sbarrier.arrive $0xFFFF  }
0xf1: {  	p0 =	sne.s32 s3, $0x0;
	s0 =	rddreg [dreg:$0x3]  }
0xf2: {  	s0 =	sadd.s32 @!p0 $0x100000, s0  }
0xf3: {  	[sflag:s0] =	ssyncadd.tile.s32 @!p0 $0x1;
	_ =	shalt  }
.Lfunc_end2:
_tile_overlayer_lowered:
.L_overlay_start_2:
0xf4: {  	(tag) =	ssettag $0x2  }
0xf5: {  	s0 =	rddreg [dreg:$0x0];
	s2 =	stileid.u32  }
0xf6: {  	s1 =	rddreg [dreg:$0x1];
	p0 =	sne.s32 s2, $0x0  }
0xf7: {  	s3 =	rddreg [dreg:$0x2];
	[bflag:$0x3] =	sbarrier.arrive $0xFFFF;
	s2 =	simm.s32 @!p0 $0x1C03  }
0xf8: {  	[timem:s3], [sflag:s2] =	dma.local @!p0 [hbm:s0], s1  }
0xf9: {  	s0 =	simm.s32 @!p0 $0x3  }
0xfa: {  	_ =	swait.ge @!p0 [sflag:s0], s1  }
0xfb: {  	s1 =	ssub.s32 @!p0 $0x0, s1;
	[sflag:s0] =	ssyncset.done @!p0 $0x0  }
0xfc: {  	[sflag:s0] =	ssyncadd.s32 @!p0 s1  }
0xfd: {  	[bflag:$0x3] =	sbarrier.arrive $0xFFFF  }
0xfe: {  	_ =	shalt  }

// kernel: kernel.13.cloned.1.call-start
scs
__scs_entry_jumppad:
0x0: {  	(pc) =	sbr.rel $0x88, $3  }
0x1: {  	(tag) =	ssettag $0x0;
	lr =	simm.s32 $0x1  }
0x2: {  	[smem:$0x3F99] =	sst lr;
	_ =	strace $0xD0000000  }
0x3: {  	_ = 	snop  }
0x4: {  	_ = 	snop  }
0x5: {  	_ = 	snop  }
0x6: {  	_ = 	snop  }
0x7: {  	_ = 	snop  }
__scs_overlays_trampoline_lowered:
0x8: {  	[smem:$0x3FA8] =	sst s0  }
0x9: {  	[smem:$0x3FA9] =	sst s1  }
0xa: {  	[smem:$0x3FAA] =	sst s2  }
0xb: {  	[smem:$0x3FAB] =	sst s3  }
0xc: {  	[smem:$0x3FAC] =	sst s4  }
0xd: {  	[smem:$0x3FAD] =	sst s5  }
0xe: {  	[smem:$0x3FAE] =	sst s6  }
0xf: {  	[smem:$0x3FAF] =	sst s7  }
0x10: {  	[smem:$0x3FB0] =	sst s8  }
0x11: {  	[smem:$0x3FB1] =	sst s9;
	s0 =	simm.s32 @!p0 $0x0  }
0x12: {  	s1 =	sld [smem:$0x3F97];
	s0 =	simm.s32 @p0 $0x1  }
0x13: {  	[smem:$0x3FB2] =	sst s0;
	s0 =	simm.s32 @!p1 $0x0  }
0x14: {  	s2 =	sld [smem:$0x3F96];
	s0 =	simm.s32 @p1 $0x1  }
0x15: {  	[smem:$0x3FB3] =	sst s0;
	s0 =	simm.s32 @!p2 $0x0  }
0x16: {  	s3 =	sld [smem:$0x3FDB];
	s0 =	simm.s32 @p2 $0x1  }
0x17: {  	s4 =	simm.s32 $0x1BF5;
	[smem:$0x3FB5] =	sst s0  }
0x18: {  	s0 =	sld [smem:$0x3F98];
	_ =	swait.ge [sflag:s4], $0x0  }
0x19: {  	s7 =	sld [smem:$0x3F99]  }
0x1a: {  	s8 =	sadd.s32 $0xFFFFE003, lr  }
0x1b: {  	s9 =	sadd.s32 $0xFFFFFEF7, lr;
	s5 =	simm.s32 $0xFFFFFFFF;
	p2 =	slt.u32 s8, $0xFFFFF086  }
0x1c: {  	p1 =	slt.u32 s9, $0xF7A;
	s5 =	simm.s32 @!p2 $0x0  }
0x1d: {  	s5 =	simm.s32 @p1 $0x1;
	p0 =	seq.s32 s7, s2  }
0x1e: {  	s7 =	smul.u32 @!p0 $0xF7A, s2;
	p2 =	seq.s32 @!p0 s5, $0x0  }
0x1f: {  	s9 =	smul.u32 $0xF7A, s1;
	s8 =	simm.s32 @!p0 $0x1BF5;
	p2 =	por !p2, p0  }
0x20: {  	[sflag:s8] =	ssyncset.s32 @!p0 $0xFFFFF086;
	s6 =	sadd.s32 @!p0 s3, s7;
	s7 =	simm.s32 @!p0 $0x108  }
0x21: {  	s3 =	sadd.s32 s3, s9;
	s6 =	sadd.s32 @!p0 $0x88, s6;
	s7 =	simm.s32 @p2 $0x1082  }
0x22: {  	[simem:s7], [sflag:s8] =	dma.local @!p0 [hbm:s6], $0xF7A  }
0x23: {  	s9 =	sor.u32 $0xD0000000, s2;
	s6 =	simm.s32 $0x108;
	_ =	swait.ge @!p0 [sflag:s8], $0x0  }
0x24: {  	s3 =	sadd.s32 $0x88, s3;
	s6 =	simm.s32 @!p1 $0x1082;
	[sflag:s4] =	ssyncset.s32 $0xFFFFF086  }
0x25: {  	[simem:s6], [sflag:s4] =	dma.local [hbm:s3], $0xF7A  }
0x26: {  	[smem:$0x3F99] =	sst s1;
	(tag) =	ssettag s2;
	_ =	strace s9  }
0x27: {  	s1 =	sld [smem:$0x3FA9]  }
0x28: {  	s2 =	sld [smem:$0x3FAA]  }
0x29: {  	s4 =	sld [smem:$0x3FAC]  }
0x2a: {  	p0 =	seq.s32 s5, $0x0;
	s5 =	sld [smem:$0x3FAD]  }
0x2b: {  	s6 =	sld [smem:$0x3FAE]  }
0x2c: {  	s7 =	sld [smem:$0x3FAF]  }
0x2d: {  	s3 =	simm.s32 $0x108;
	s8 =	sld [smem:$0x3FB0]  }
0x2e: {  	s3 =	simm.s32 @!p0 $0x1082;
	s9 =	sld [smem:$0x3FB1]  }
0x2f: {  	lr =	sadd.s32 s0, s3;
	s0 =	sld [smem:$0x3FA8]  }
0x30: {  	s3 =	sld [smem:$0x3FAB]  }
0x31: {  	[smem:$0x3FB4] =	sst s10  }
0x32: {  	s10 =	sld [smem:$0x3FB2];
	_ =	sdelay $0x3  }
0x33: {  	p0 =	seq.s32 s10, $0x1;
	s10 =	sld [smem:$0x3FB4];
	_ =	sdelay $0x3  }
0x34: {  	[smem:$0x3FB4] =	sst s10  }
0x35: {  	s10 =	sld [smem:$0x3FB3];
	_ =	sdelay $0x3  }
0x36: {  	p1 =	seq.s32 s10, $0x1;
	s10 =	sld [smem:$0x3FB4];
	_ =	sdelay $0x3  }
0x37: {  	[smem:$0x3FB4] =	sst s10  }
0x38: {  	s10 =	sld [smem:$0x3FB5]  }
0x39: {  	_ = 	snop;
	(pc) =	sbr.ind lr, $3  }
0x3a: {  	_ = 	snop  }
0x3b: {  	_ = 	snop  }
0x3c: {  	p2 =	seq.s32 s10, $0x1;
	s10 =	sld [smem:$0x3FB4]  }
0x3d: {  	_ =	shalt  }
0x3e: {  	_ =	shalt  }
0x3f: {  	_ =	shalt  }
0x40: {  	_ =	shalt  }
0x41: {  	_ =	shalt  }
0x42: {  	_ =	shalt  }
0x43: {  	_ =	shalt  }
0x44: {  	_ =	shalt  }
0x45: {  	_ =	shalt  }
0x46: {  	_ =	shalt  }
0x47: {  	_ =	shalt  }
0x48: {  	_ =	shalt  }
0x49: {  	_ =	shalt  }
0x4a: {  	_ =	shalt  }
0x4b: {  	_ =	shalt  }
0x4c: {  	_ =	shalt  }
0x4d: {  	_ =	shalt  }
0x4e: {  	_ =	shalt  }
0x4f: {  	_ =	shalt  }
0x50: {  	_ =	shalt  }
0x51: {  	_ =	shalt  }
0x52: {  	_ =	shalt  }
0x53: {  	_ =	shalt  }
0x54: {  	_ =	shalt  }
0x55: {  	_ =	shalt  }
0x56: {  	_ =	shalt  }
0x57: {  	_ =	shalt  }
0x58: {  	_ =	shalt  }
0x59: {  	_ =	shalt  }
0x5a: {  	_ =	shalt  }
0x5b: {  	_ =	shalt  }
0x5c: {  	_ =	shalt  }
0x5d: {  	_ =	shalt  }
0x5e: {  	_ =	shalt  }
0x5f: {  	_ =	shalt  }
0x60: {  	_ =	shalt  }
0x61: {  	_ =	shalt  }
0x62: {  	_ =	shalt  }
0x63: {  	_ =	shalt  }
0x64: {  	_ =	shalt  }
0x65: {  	_ =	shalt  }
0x66: {  	_ =	shalt  }
0x67: {  	_ =	shalt  }
0x68: {  	_ =	shalt  }
0x69: {  	_ =	shalt  }
0x6a: {  	_ =	shalt  }
0x6b: {  	_ =	shalt  }
0x6c: {  	_ =	shalt  }
0x6d: {  	_ =	shalt  }
0x6e: {  	_ =	shalt  }
0x6f: {  	_ =	shalt  }
0x70: {  	_ =	shalt  }
0x71: {  	_ =	shalt  }
0x72: {  	_ =	shalt  }
0x73: {  	_ =	shalt  }
0x74: {  	_ =	shalt  }
0x75: {  	_ =	shalt  }
0x76: {  	_ =	shalt  }
0x77: {  	_ =	shalt  }
0x78: {  	_ =	shalt  }
0x79: {  	_ =	shalt  }
0x7a: {  	_ =	shalt  }
0x7b: {  	_ =	shalt  }
0x7c: {  	_ =	shalt  }
0x7d: {  	_ =	shalt  }
0x7e: {  	_ =	shalt  }
0x7f: {  	_ =	shalt  }
0x80: {  	_ =	shalt  }
0x81: {  	_ =	shalt  }
0x82: {  	_ =	shalt  }
0x83: {  	_ =	shalt  }
0x84: {  	_ =	shalt  }
0x85: {  	_ =	shalt  }
0x86: {  	_ =	shalt  }
0x87: {  	_ =	shalt  }
.Lfunc_end0:
.L_simem_size_0:
called_computation.2_lowered:
.L_overlay_start_0:
0x88: {  	s2 =	sld [smem:$0x3FD9]  }
0x89: {  	s3 =	sld [smem:$0x3FFE];
	_ =	sdelay $0x1  }
0x8a: {  	s1 =	srdreg.scid  }
0x8b: {  	s0 =	sand.u32 $0x1, s1  }
0x8c: {  	s17 =	sshll.u32 s0, $0xA;
	s2 =	sadd.s32 s3, s2  }
0x8d: {  	s2 =	sadd.s32 s2, s17  }
0x8e: {  	[smem:$0x3FC0] =	sst s2  }
0x8f: {  	_ = 	snop  }
0x90: {  	s2 =	sld [smem:$0x3FD0];
	(tm) =	ssettm $0x1  }
0x91: {  	s18 =	sld [smem:$0x3FFB];
	_ =	sdelay $0x3  }
0x92: {  	_ =	strace s18  }
0x93: {  	s3 =	sld [smem:$0x3FFC];
	_ =	sdelay $0x3  }
0x94: {  	_ =	strace s3  }
0x95: {  	s3 =	sld [smem:$0x3FFD];
	_ =	sdelay $0x3  }
0x96: {  	_ =	strace s3  }
0x97: {  	_ =	strace $0x8FFFFFFF  }
0x98: {  	s19 =	sld [smem:$0x3FDB];
	_ =	sdelay $0x1  }
0x99: {  	s4 =	simm.s32 $_scs_section_size  }
0x9a: {  	s5 =	simm.s32 $_size__tile_overlayer_lowered;
	s6 =	simm.s32 $_tile_overlayer_lowered  }
0x9b: {  	s22 =	simm.s32 $0x1BFF;
	s21 =	sshll.u32 s6, $0x1;
	s3 =	sadd.s32 s4, s19  }
0x9c: {  	s7 =	simm.s32 $0x0;
	s20 =	sshll.u32 s5, $0x1;
	s5 =	sadd.s32 s21, s3  }
0x9d: {  	[timem:s7], [sflag:s22] =	dma.local [hbm:s5], s20  }
0x9e: {  	_ =	swait.ge [sflag:s22], s20  }
0x9f: {  	s4 =	ssub.s32 $0x0, s20;
	[sflag:s22] =	ssyncset.done $0x0  }
0xa0: {  	[sflag:s22] =	ssyncadd.s32 s4;
	_ =	sdelay $0x1  }
0xa1: {  	s23 =	simm.s32 $0x1B8B  }
0xa2: {  	_ =	swait.ge [sflag:s23], $0x1  }
0xa3: {  	[sflag:s23] =	ssyncset.done $0x0  }
0xa4: {  	s25 =	simm.s32 $0x1B8E;
	s24 =	sld [smem:$0x3FFE];
	[sflag:s23] =	ssyncadd.s32 $0xFFFFFFFF  }
0xa5: {  	s26 =	simm.s32 $execute0_lowered;
	[smem:$0x3FD2] =	sst s25  }
0xa6: {  	s5 =	sshll.u32 s26, $0x1;
	_ =	strace $0x8000004C;
	[dreg:$0x1] =	wrdreg $0xFFFFFFFF  }
0xa7: {  	s28 =	simm.s32 $_size_execute0_lowered;
	s3 =	sadd.s32 s3, s5;
	[dreg:$0x0] =	wrdreg $0x0  }
0xa8: {  	s5 =	sshll.u32 s28, $0x1;
	[dreg:$0x2] =	wrdreg s3  }
0xa9: {  	[dreg:$0x3] =	wrdreg s5  }
0xaa: {  	[dreg:$0x4] =	wrdreg $0xC0  }
0xab: {  	_ =	task [dreg:s7], $0x5FFFF  }
0xac: {  	[dreg:$0x1] =	wrdreg $0xFFFFFFFF  }
0xad: {  	[dreg:$0x0] =	wrdreg $0x60  }
0xae: {  	[dreg:$0x2] =	wrdreg s2  }
0xaf: {  	[dreg:$0x3] =	wrdreg s24  }
0xb0: {  	[dreg:$0x4] =	wrdreg $0x42000  }
0xb1: {  	[dreg:$0x5] =	wrdreg $0x9  }
0xb2: {  	_ =	task.clear_ibuf [dreg:s7], $0x6FFFF;
	_ =	strace $0x9000004C  }
0xb3: {  	s29 =	simm.s32 $0x9;
	_ =	strace $0x8000004E  }
0xb4: {  	_ =	swait.ge [sflag:s29], $0x1  }
0xb5: {  	[sflag:s29] =	ssyncadd.s32 $0xFFFFFFFF  }
0xb6: {  	_ =	strace $0x9000004E  }
0xb7: {  	_ =	sfence  }
0xb8: {  	s30 =	sld [smem:$0x0];
	_ =	sdelay $0x2  }
0xb9: {  	s31 =	sshll.u32 s1, $0xD;
	s1 =	sshrl.u32 s1, $0x2  }
0xba: {  	s3 =	sand.u32 $0x4000, s31;
	s1 =	sadd.s32 s1, s30  }
0xbb: {  	s0 =	sor.u32 s3, s0;
	s1 =	sshll.u32 s1, $0x11  }
0xbc: {  	s0 =	sor.u32 s1, s0  }
0xbd: {  	s0 =	sadd.s32 $0x8F2B, s0  }
0xbe: {  	[sflag:s0] =	ssyncadd.remote.s32 $0x1  }
0xbf: {  	_ =	sfence.sel $0xFFFF  }
0xc0: {  	[dreg:$0x0] =	wrdreg $0xFFFFFFFF;
	(pc) =	sbr.abs _section_cstart, $3  }
0xc1: {  	[dreg:$0x1] =	wrdreg $0xFFFFFFFF  }
0xc2: {  	_ =	task.clear_ibuf [dreg:s7], $0x2FFFF;
	_ =	strace $0x9FFFFFFF  }
0xc3: {  	(tm) =	ssettm $0x7FFFFFFF  }
tec
execute0_lowered:
.L_overlay_start_1:
0x0: {  	(tag) =	ssettag $0x1  }
0x1: {  	s1 =	rddreg [dreg:$0x0]  }
0x2: {  	s0 =	rddreg [dreg:$0x1]  }
0x3: {  	s2 =	rddreg [dreg:$0x2];
	s4 =	simm.s32 $0x0  }
0x4: {  	s5 =	srdreg.scid;
	s3 =	stileid.u32;
	s28 =	simm.s32 $0x2200  }
0x5: {  	s29 =	simm.s32 $0x80;
	s30 =	simm.s32 $0x40;
	s31 =	simm.s32 $0x2100  }
0x6: {  	[smem:$0x7FF] =	sst s4;
	s7 =	sand.u32 $0x1, s5;
	s5 =	sadd.s32 $0x2A00, s0  }
0x7: {  	s9 =	sshll.u32 s3, $0x1;
	s6 =	sadd.s32 $0x16A00, s0;
	s10 =	sshll.u32 s3, $0xD  }
0x8: {  	s8 =	smul.u32 $0x13C000, s7;
	s9 =	sor.u32 s7, s9;
	s12 =	ssub.s32 $0x2, s7  }
0x9: {  	_ =	strace $0x8000004D;
	s7 =	smul.u32 $0x5000, s9;
	s13 =	sshrl.u32 s12, $0x1  }
0xa: {  	s11 =	sadd.s32 s10, s8;
	s8 =	sadd.s32 $0x2AA00, s0;
	s14 =	ssub.s32 s12, s13  }
0xb: {  	s11 =	sshrl.u32 s11, $0x3;
	s15 =	sshrl.u32 s7, $0x3;
	s9 =	smax.u32 s14, $0x1  }
0xc: {  	s0 =	sadd.s32 s11, s0;
	s17 =	sadd.s32 s5, s15;
	[dreg:$0x6] =	wrdreg s9  }
0xd: {  	s18 =	sadd.s32 s6, s15;
	s11 =	sadd.s32 s10, s2;
	[dreg:$0x4] =	wrdreg s17  }
0xe: {  	s25 =	sor.u32 $0x90, s3;
	[dreg:$0x5] =	wrdreg s18;
	s19 =	sadd.s32 $0x40000, s11  }
0xf: {  	s26 =	sshll.u32 s25, $0xD;
	s20 =	sadd.s32 $0x60000, s11;
	[dreg:$0x7] =	wrdreg s19  }
0x10: {  	p0 =	sgt.u32 s25, $0x9D;
	s21 =	sadd.s32 $0x80000, s11;
	[dreg:$0x8] =	wrdreg s20  }
0x11: {  	s25 =	simm.s32 $0x100;
	s22 =	sadd.s32 $0xA0000, s11;
	[dreg:$0x9] =	wrdreg s21  }
0x12: {  	s12 =	sadd.s32 $0x9F0, s15;
	s23 =	sadd.s32 $0xC0000, s11;
	[dreg:$0xa] =	wrdreg s22  }
0x13: {  	s9 =	simm.s32 $0x1;
	s24 =	sadd.s32 $0xE0000, s11;
	[dreg:$0xb] =	wrdreg s23  }
0x14: {  	s16 =	sadd.s32 $0x20000, s11;
	s10 =	sadd.s32 $0x100000, s11;
	[dreg:$0xc] =	wrdreg s24  }
0x15: {  	[dreg:$0xd] =	wrdreg s10;
	s21 =	sadd.s32 s26, s2;
	s22 =	sadd.s32 s5, s12  }
0x16: {  	s23 =	sadd.s32 s6, s12;
	s24 =	sadd.s32 $0x2AE00, s0;
	s26 =	simm.s32 $0x3  }
0x17: {  	s0 =	simm.s32 $0x2180;
	s10 =	simm.s32 $0x2;
	s12 =	simm.s32 $0x0  }
.LBB2_1:
0x18: {  	[tilespmem:s25], [sflag:$0x3] =	stream.linear.gather [hbm4b:s8+s4], $0x2000, $0x38;
	[tilespmem:$0x17E00] =	vst v63  }
0x19: {  	_ =	swait.ge [sflag:s26], $0x2000  }
0x1a: {  	[sflag:s26] =	ssyncset.done $0x0  }
0x1b: {  	[sflag:s26] =	ssyncadd.s32 $0xFFFFE000  }
0x1c: {  	[tilespmem:s28], [sflag:$0x3] =	stream.linear.gather [hbm4b:s8+s4], $0x2000, $0x38;
	[tilespmem:$0x17E00] =	vst v63  }
0x1d: {  	_ =	swait.ge [sflag:s26], $0x2000  }
0x1e: {  	[sflag:s26] =	ssyncset.done $0x0  }
0x1f: {  	[sflag:s26] =	ssyncadd.s32 $0xFFFFE000  }
0x20: {  	[spmem:s11] =	stream.linear.scatter [tilespmem:s25], [sflag:$0x3], $0x2000, $0x38;
	[tilespmem:$0x17E00] =	vst v63  }
0x21: {  	_ =	swait.ge [sflag:s26], $0x2000  }
0x22: {  	[sflag:s26] =	ssyncset.done $0x0  }
0x23: {  	[sflag:s26] =	ssyncadd.s32 $0xFFFFE000  }
0x24: {  	[spmem:s16] =	stream.linear.scatter [tilespmem:s25], [sflag:$0x3], $0x2000, $0x38;
	[tilespmem:$0x17E00] =	vst v63  }
0x25: {  	_ =	swait.ge [sflag:s26], $0x2000  }
0x26: {  	[sflag:s26] =	ssyncset.done $0x0  }
0x27: {  	s13 =	rddreg [dreg:$0x7];
	[sflag:s26] =	ssyncadd.s32 $0xFFFFE000  }
0x28: {  	[spmem:s13] =	stream.linear.scatter [tilespmem:s25], [sflag:$0x3], $0x2000, $0x38;
	[tilespmem:$0x17E00] =	vst v63  }
0x29: {  	_ =	swait.ge [sflag:s26], $0x2000  }
0x2a: {  	[sflag:s26] =	ssyncset.done $0x0  }
0x2b: {  	s18 =	rddreg [dreg:$0x8];
	[sflag:s26] =	ssyncadd.s32 $0xFFFFE000  }
0x2c: {  	[spmem:s18] =	stream.linear.scatter [tilespmem:s25], [sflag:$0x3], $0x2000, $0x38;
	[tilespmem:$0x17E00] =	vst v63  }
0x2d: {  	_ =	swait.ge [sflag:s26], $0x2000  }
0x2e: {  	[sflag:s26] =	ssyncset.done $0x0  }
0x2f: {  	s19 =	rddreg [dreg:$0x9];
	[sflag:s26] =	ssyncadd.s32 $0xFFFFE000  }
0x30: {  	[spmem:s19] =	stream.linear.scatter [tilespmem:s25], [sflag:$0x3], $0x2000, $0x38;
	[tilespmem:$0x17E00] =	vst v63  }
0x31: {  	_ =	swait.ge [sflag:s26], $0x2000  }
0x32: {  	[sflag:s26] =	ssyncset.done $0x0  }
0x33: {  	s20 =	rddreg [dreg:$0xa];
	[sflag:s26] =	ssyncadd.s32 $0xFFFFE000  }
0x34: {  	[spmem:s20] =	stream.linear.scatter [tilespmem:s25], [sflag:$0x3], $0x2000, $0x38;
	[tilespmem:$0x17E00] =	vst v63  }
0x35: {  	_ =	swait.ge [sflag:s26], $0x2000  }
0x36: {  	[sflag:s26] =	ssyncset.done $0x0  }
0x37: {  	s14 =	rddreg [dreg:$0xb];
	[sflag:s26] =	ssyncadd.s32 $0xFFFFE000  }
0x38: {  	[spmem:s14] =	stream.linear.scatter [tilespmem:s25], [sflag:$0x3], $0x2000, $0x38;
	[tilespmem:$0x17E00] =	vst v63  }
0x39: {  	_ =	swait.ge [sflag:s26], $0x2000  }
0x3a: {  	[sflag:s26] =	ssyncset.done $0x0  }
0x3b: {  	s15 =	rddreg [dreg:$0xc];
	[sflag:s26] =	ssyncadd.s32 $0xFFFFE000  }
0x3c: {  	[spmem:s15] =	stream.linear.scatter [tilespmem:s25], [sflag:$0x3], $0x2000, $0x38;
	[tilespmem:$0x17E00] =	vst v63  }
0x3d: {  	_ =	swait.ge [sflag:s26], $0x2000  }
0x3e: {  	[sflag:s26] =	ssyncset.done $0x0  }
0x3f: {  	s17 =	rddreg [dreg:$0xd];
	[sflag:s26] =	ssyncadd.s32 $0xFFFFE000  }
0x40: {  	[spmem:s17] =	stream.linear.scatter [tilespmem:s25], [sflag:$0x3], $0x2000, $0x38;
	[tilespmem:$0x17E00] =	vst v63  }
0x41: {  	_ =	swait.ge [sflag:s26], $0x2000  }
0x42: {  	[sflag:s26] =	ssyncset.done $0x0  }
0x43: {  	s13 =	simm.s32 @!p0 $0x100;
	[sflag:s26] =	ssyncadd.s32 $0xFFFFE000  }
0x44: {  	[spmem:s21] =	stream.linear.scatter @!p0 [tilespmem:s13], [sflag:$0x3], $0x2000, $0x38;
	[tilespmem:$0x17E00] =	vst v63  }
0x45: {  	s13 =	simm.s32 @!p0 $0x3  }
0x46: {  	_ =	swait.ge @!p0 [sflag:s13], $0x2000  }
0x47: {  	[sflag:s13] =	ssyncset.done @!p0 $0x0  }
0x48: {  	[sflag:s13] =	ssyncadd.s32 @!p0 $0xFFFFE000  }
0x49: {  	[bflag:$0x0] =	sbarrier.arrive $0xFFFF  }
0x4a: {  	s20 =	simm.s32 $0x0;
	s18 =	rddreg [dreg:$0x4]  }
0x4b: {  	[tilespmem:s4], [sflag:$0x3] =	stream.linear.gather [hbm4b:s18+s4], $0x80, $0x38;
	[tilespmem:$0x17E00] =	vst v63  }
0x4c: {  	s14 =	sand.u32 $0x7C00, s20;
	_ =	swait.ge [sflag:s26], $0x80  }
0x4d: {  	s14 =	sadd.s32 s7, s14;
	[sflag:s26] =	ssyncset.done $0x0  }
0x4e: {  	s13 =	sand.u32 $0x300, s20;
	s19 =	rddreg [dreg:$0x5];
	[sflag:s26] =	ssyncadd.s32 $0xFFFFFF80  }
0x4f: {  	[tilespmem:s29], [sflag:$0x3] =	stream.linear.gather [hbm4b:s19+s4], $0x80, $0x38;
	[tilespmem:$0x17E00] =	vst v63  }
0x50: {  	s13 =	sor.u32 s14, s13;
	_ =	swait.ge [sflag:s26], $0x80  }
0x51: {  	s13 =	sor.u32 $0x80, s13;
	[sflag:s26] =	ssyncset.done $0x0  }
0x52: {  	s13 =	sshrl.u32 s13, $0x3;
	[sflag:s26] =	ssyncadd.s32 $0xFFFFFF80  }
0x53: {  	[tilespmem:s25], [sflag:$0x1] =	stream.indirect.gather [hbm4b:s1+s30], $0x80, s4, s30, $0xb8;
	[tilespmem:$0x17E00] =	vst v63  }
0x54: {  	s15 =	sadd.s32 s5, s13  }
0x55: {  	[tilespmem:s31], [sflag:$0x3] =	stream.linear.gather [hbm4b:s15+s4], $0x80, $0x38;
	[tilespmem:$0x17E00] =	vst v63  }
0x56: {  	_ =	swait.ge [sflag:s26], $0x80  }
0x57: {  	[sflag:s26] =	ssyncset.done $0x0  }
0x58: {  	s13 =	sadd.s32 s6, s13;
	[sflag:s26] =	ssyncadd.s32 $0xFFFFFF80  }
0x59: {  	[tilespmem:s0], [sflag:$0x3] =	stream.linear.gather [hbm4b:s13+s4], $0x80, $0x38;
	[tilespmem:$0x17E00] =	vst v63  }
0x5a: {  	_ =	swait.ge [sflag:s26], $0x80  }
0x5b: {  	[sflag:s26] =	ssyncset.done $0x0  }
0x5c: {  	[sflag:s26] =	ssyncadd.s32 $0xFFFFFF80  }
0x5d: {  	[tilespmem:s28], [sflag:$0x2] =	stream.indirect.gather [hbm4b:s1+s30], $0x80, s31, s30, $0xb8;
	[tilespmem:$0x17E00] =	vst v63  }
0x5e: {  	_ =	swait.ge [sflag:s9], $0x2000  }
0x5f: {  	s17 =	sand.u32 $0xFC00, s25;
	[sflag:s9] =	ssyncset.done $0x0  }
0x60: {  	s18 =	sand.u32 $0x300, s25;
	s13 =	sadd.s32 s7, s17;
	[sflag:s9] =	ssyncadd.s32 $0xFFFFE000  }
0x61: {  	[spmem:s2] =	stream.indirect.scatter.add.f32 [tilespmem:s25], [sflag:$0x3], $0x80, s29, s30, $0xb8;
	[tilespmem:$0x17E00] =	vst v63  }
0x62: {  	s13 =	sor.u32 s18, s13;
	_ =	swait.ge [sflag:s26], $0x2000  }
0x63: {  	s13 =	sshrl.u32 s13, $0x3;
	[sflag:s26] =	ssyncset.done $0x0  }
0x64: {  	s19 =	sadd.s32 s5, s13;
	[sflag:s26] =	ssyncadd.s32 $0xFFFFE000  }
0x65: {  	[tilespmem:s4], [sflag:$0x3] =	stream.linear.gather [hbm4b:s19+s4], $0x80, $0x38;
	[tilespmem:$0x17E00] =	vst v63  }
0x66: {  	_ =	swait.ge [sflag:s26], $0x80  }
0x67: {  	[sflag:s26] =	ssyncset.done $0x0  }
0x68: {  	s13 =	sadd.s32 s6, s13;
	[sflag:s26] =	ssyncadd.s32 $0xFFFFFF80  }
0x69: {  	[tilespmem:s29], [sflag:$0x3] =	stream.linear.gather [hbm4b:s13+s4], $0x80, $0x38;
	[tilespmem:$0x17E00] =	vst v63  }
0x6a: {  	s20 =	simm.s32 $0x100;
	_ =	swait.ge [sflag:s26], $0x80  }
0x6b: {  	s14 =	simm.s32 $0x200;
	s15 =	sand.u32 $0x7C00, s20;
	[sflag:s26] =	ssyncset.done $0x0  }
0x6c: {  	s15 =	sadd.s32 s7, s15;
	s13 =	sand.u32 $0x300, s20;
	[sflag:s26] =	ssyncadd.s32 $0xFFFFFF80  }
0x6d: {  	[tilespmem:s25], [sflag:$0x1] =	stream.indirect.gather [hbm4b:s1+s30], $0x80, s4, s30, $0xb8;
	[tilespmem:$0x17E00] =	vst v63  }
0x6e: {  	s13 =	sor.u32 s15, s13;
	s15 =	simm.s32 $0x300;
	_ =	swait.ge [sflag:s10], $0x2000  }
.LBB2_2:
0x6f: {  	p1 =	sne.s32 s15, $0x4F00  }
0x70: {  	[sflag:s10] =	ssyncset.done $0x0;
	s17 =	smov.u32 s15;
	s15 =	sadd.s32 $0x100, s15  }
0x71: {  	[sflag:s10] =	ssyncadd.s32 $0xFFFFE000  }
0x72: {  	[spmem:s2] =	stream.indirect.scatter.add.f32 [tilespmem:s28], [sflag:$0x3], $0x80, s0, s30, $0xb8;
	[tilespmem:$0x17E00] =	vst v63  }
0x73: {  	s13 =	sor.u32 $0x80, s13;
	_ =	swait.ge [sflag:s26], $0x2000  }
0x74: {  	s13 =	sshrl.u32 s13, $0x3;
	[sflag:s26] =	ssyncset.done $0x0  }
0x75: {  	s18 =	sadd.s32 s5, s13;
	[sflag:s26] =	ssyncadd.s32 $0xFFFFE000  }
0x76: {  	[tilespmem:s31], [sflag:$0x3] =	stream.linear.gather [hbm4b:s18+s4], $0x80, $0x38;
	[tilespmem:$0x17E00] =	vst v63  }
0x77: {  	_ =	swait.ge [sflag:s26], $0x80  }
0x78: {  	[sflag:s26] =	ssyncset.done $0x0  }
0x79: {  	s13 =	sadd.s32 s6, s13;
	[sflag:s26] =	ssyncadd.s32 $0xFFFFFF80  }
0x7a: {  	[tilespmem:s0], [sflag:$0x3] =	stream.linear.gather [hbm4b:s13+s4], $0x80, $0x38;
	[tilespmem:$0x17E00] =	vst v63  }
0x7b: {  	_ =	swait.ge [sflag:s26], $0x80  }
0x7c: {  	[sflag:s26] =	ssyncset.done $0x0  }
0x7d: {  	[sflag:s26] =	ssyncadd.s32 $0xFFFFFF80  }
0x7e: {  	[tilespmem:s28], [sflag:$0x2] =	stream.indirect.gather [hbm4b:s1+s30], $0x80, s31, s30, $0xb8;
	[tilespmem:$0x17E00] =	vst v63  }
0x7f: {  	_ =	swait.ge [sflag:s9], $0x2000  }
0x80: {  	[sflag:s9] =	ssyncset.done $0x0  }
0x81: {  	s18 =	sand.u32 $0x300, s14;
	s13 =	sand.u32 $0xFC00, s14;
	[sflag:s9] =	ssyncadd.s32 $0xFFFFE000  }
0x82: {  	[spmem:s2] =	stream.indirect.scatter.add.f32 [tilespmem:s25], [sflag:$0x3], $0x80, s29, s30, $0xb8;
	[tilespmem:$0x17E00] =	vst v63  }
0x83: {  	s14 =	smov.u32 s17;
	s13 =	sadd.s32 s7, s13;
	_ =	swait.ge [sflag:s26], $0x2000  }
0x84: {  	s13 =	sor.u32 s18, s13;
	[sflag:s26] =	ssyncset.done $0x0  }
0x85: {  	s13 =	sshrl.u32 s13, $0x3;
	[sflag:s26] =	ssyncadd.s32 $0xFFFFE000  }
0x86: {  	s17 =	sadd.s32 s5, s13  }
0x87: {  	[tilespmem:s4], [sflag:$0x3] =	stream.linear.gather [hbm4b:s17+s4], $0x80, $0x38;
	[tilespmem:$0x17E00] =	vst v63  }
0x88: {  	_ =	swait.ge [sflag:s26], $0x80  }
0x89: {  	s13 =	sadd.s32 s6, s13;
	[sflag:s26] =	ssyncset.done $0x0  }
0x8a: {  	[sflag:s26] =	ssyncadd.s32 $0xFFFFFF80  }
0x8b: {  	[tilespmem:s29], [sflag:$0x3] =	stream.linear.gather [hbm4b:s13+s4], $0x80, $0x38;
	[tilespmem:$0x17E00] =	vst v63  }
.Ltmp0:
0x8c: {  	s13 =	sadd.s32 $0xFFFFFF00, s14;
	_ =	swait.ge [sflag:s26], $0x80;
	(pc) =	sbr.rel @p1 .LBB2_2-.Ltmp0, $4  }
0x8d: {  	s17 =	sand.u32 $0x7C00, s13;
	[sflag:s26] =	ssyncset.done $0x0  }
0x8e: {  	s13 =	sand.u32 $0x300, s13;
	s17 =	sadd.s32 s7, s17;
	[sflag:s26] =	ssyncadd.s32 $0xFFFFFF80  }
0x8f: {  	[tilespmem:s25], [sflag:$0x1] =	stream.indirect.gather [hbm4b:s1+s30], $0x80, s4, s30, $0xb8;
	[tilespmem:$0x17E00] =	vst v63  }
0x90: {  	s13 =	sor.u32 s17, s13;
	_ =	swait.ge [sflag:s10], $0x2000  }
0x91: {  	[sflag:s10] =	ssyncset.done $0x0  }
0x92: {  	[sflag:s10] =	ssyncadd.s32 $0xFFFFE000  }
0x93: {  	[spmem:s2] =	stream.indirect.scatter.add.f32 [tilespmem:s28], [sflag:$0x3], $0x80, s0, s30, $0xb8;
	[tilespmem:$0x17E00] =	vst v63  }
0x94: {  	s13 =	sor.u32 $0x80, s13;
	_ =	swait.ge [sflag:s26], $0x2000  }
0x95: {  	s13 =	sshrl.u32 s13, $0x3;
	[sflag:s26] =	ssyncset.done $0x0  }
0x96: {  	s15 =	sadd.s32 s5, s13;
	[sflag:s26] =	ssyncadd.s32 $0xFFFFE000  }
0x97: {  	[tilespmem:s31], [sflag:$0x3] =	stream.linear.gather [hbm4b:s15+s4], $0x80, $0x38;
	[tilespmem:$0x17E00] =	vst v63  }
0x98: {  	_ =	swait.ge [sflag:s26], $0x80  }
0x99: {  	[sflag:s26] =	ssyncset.done $0x0  }
0x9a: {  	s13 =	sadd.s32 s6, s13;
	[sflag:s26] =	ssyncadd.s32 $0xFFFFFF80  }
0x9b: {  	[tilespmem:s0], [sflag:$0x3] =	stream.linear.gather [hbm4b:s13+s4], $0x80, $0x38;
	[tilespmem:$0x17E00] =	vst v63  }
0x9c: {  	_ =	swait.ge [sflag:s26], $0x80  }
0x9d: {  	[sflag:s26] =	ssyncset.done $0x0  }
0x9e: {  	[sflag:s26] =	ssyncadd.s32 $0xFFFFFF80  }
0x9f: {  	[tilespmem:s28], [sflag:$0x2] =	stream.indirect.gather [hbm4b:s1+s30], $0x80, s31, s30, $0xb8;
	[tilespmem:$0x17E00] =	vst v63  }
0xa0: {  	_ =	swait.ge [sflag:s9], $0x2000  }
0xa1: {  	s20 =	sand.u32 $0xFC00, s14;
	[sflag:s9] =	ssyncset.done $0x0  }
0xa2: {  	s15 =	sand.u32 $0x300, s14;
	s13 =	sadd.s32 s7, s20;
	[sflag:s9] =	ssyncadd.s32 $0xFFFFE000  }
0xa3: {  	[spmem:s2] =	stream.indirect.scatter.add.f32 [tilespmem:s25], [sflag:$0x3], $0x80, s29, s30, $0xb8;
	[tilespmem:$0x17E00] =	vst v63  }
0xa4: {  	s13 =	sor.u32 s15, s13;
	_ =	swait.ge [sflag:s26], $0x2000  }
0xa5: {  	s13 =	sshrl.u32 s13, $0x3;
	[sflag:s26] =	ssyncset.done $0x0  }
0xa6: {  	s17 =	sadd.s32 s5, s13;
	[sflag:s26] =	ssyncadd.s32 $0xFFFFE000  }
0xa7: {  	[tilespmem:s4], [sflag:$0x3] =	stream.linear.gather [hbm4b:s17+s4], $0x80, $0x38;
	[tilespmem:$0x17E00] =	vst v63  }
0xa8: {  	_ =	swait.ge [sflag:s26], $0x80  }
0xa9: {  	[sflag:s26] =	ssyncset.done $0x0  }
0xaa: {  	s13 =	sadd.s32 s6, s13;
	[sflag:s26] =	ssyncadd.s32 $0xFFFFFF80  }
0xab: {  	[tilespmem:s29], [sflag:$0x3] =	stream.linear.gather [hbm4b:s13+s4], $0x80, $0x38;
	[tilespmem:$0x17E00] =	vst v63  }
0xac: {  	_ =	swait.ge [sflag:s26], $0x80  }
0xad: {  	[sflag:s26] =	ssyncset.done $0x0  }
0xae: {  	[sflag:s26] =	ssyncadd.s32 $0xFFFFFF80  }
0xaf: {  	[tilespmem:s25], [sflag:$0x1] =	stream.indirect.gather [hbm4b:s1+s30], $0x80, s4, s30, $0xb8;
	[tilespmem:$0x17E00] =	vst v63  }
0xb0: {  	_ =	swait.ge [sflag:s10], $0x2000  }
0xb1: {  	[sflag:s10] =	ssyncset.done $0x0  }
0xb2: {  	[sflag:s10] =	ssyncadd.s32 $0xFFFFE000  }
0xb3: {  	[spmem:s2] =	stream.indirect.scatter.add.f32 [tilespmem:s28], [sflag:$0x3], $0x80, s0, s30, $0xb8;
	[tilespmem:$0x17E00] =	vst v63  }
0xb4: {  	_ =	swait.ge [sflag:s26], $0x2000  }
0xb5: {  	[sflag:s26] =	ssyncset.done $0x0  }
0xb6: {  	s18 =	simm.s32 $0x0;
	[sflag:s26] =	ssyncadd.s32 $0xFFFFE000  }
0xb7: {  	[tilespmem:s31], [sflag:$0x3] =	stream.linear.gather [hbm4b:s22+s18], $0x80, $0x38;
	[tilespmem:$0x17E00] =	vst v63  }
0xb8: {  	_ =	swait.ge [sflag:s26], $0x80  }
0xb9: {  	[sflag:s26] =	ssyncset.done $0x0  }
0xba: {  	[sflag:s26] =	ssyncadd.s32 $0xFFFFFF80  }
0xbb: {  	[tilespmem:s0], [sflag:$0x3] =	stream.linear.gather [hbm4b:s23+s18], $0x80, $0x38;
	[tilespmem:$0x17E00] =	vst v63  }
0xbc: {  	_ =	swait.ge [sflag:s26], $0x80  }
0xbd: {  	[sflag:s26] =	ssyncset.done $0x0  }
0xbe: {  	[sflag:s26] =	ssyncadd.s32 $0xFFFFFF80  }
0xbf: {  	[tilespmem:s28], [sflag:$0x2] =	stream.indirect.gather [hbm4b:s1+s30], $0x80, s31, s30, $0xb8;
	[tilespmem:$0x17E00] =	vst v63  }
0xc0: {  	_ =	swait.ge [sflag:s9], $0x2000  }
0xc1: {  	[sflag:s9] =	ssyncset.done $0x0  }
0xc2: {  	[sflag:s9] =	ssyncadd.s32 $0xFFFFE000  }
0xc3: {  	[spmem:s2] =	stream.indirect.scatter.add.f32 [tilespmem:s25], [sflag:$0x3], $0x80, s29, s30, $0xb8;
	[tilespmem:$0x17E00] =	vst v63  }
0xc4: {  	_ =	swait.ge [sflag:s26], $0x2000  }
0xc5: {  	[sflag:s26] =	ssyncset.done $0x0  }
0xc6: {  	[sflag:s26] =	ssyncadd.s32 $0xFFFFE000  }
0xc7: {  	_ =	swait.ge [sflag:s10], $0x2000  }
0xc8: {  	[sflag:s10] =	ssyncset.done $0x0  }
0xc9: {  	[sflag:s10] =	ssyncadd.s32 $0xFFFFE000  }
0xca: {  	[spmem:s2] =	stream.indirect.scatter.add.f32 [tilespmem:s28], [sflag:$0x3], $0x80, s0, s30, $0xb8;
	[tilespmem:$0x17E00] =	vst v63  }
0xcb: {  	s19 =	sadd.s32 $0x0, s3;
	_ =	swait.ge [sflag:s26], $0x2000  }
0xcc: {  	p1 =	sgt.u32 s19, $0x9D;
	[sflag:s26] =	ssyncset.done $0x0  }
0xcd: {  	s14 =	simm.s32 @!p1 $0x4;
	[sflag:s26] =	ssyncadd.s32 $0xFFFFE000  }
0xce: {  	s13 =	simm.s32 @!p1 $0x100;
	p1 =	por p1, p1;
	[bflag:$0x0] =	sbarrier.arrive $0xFFFF  }
0xcf: {  	[tilespmem:s13], [sflag:$0x4] =	stream.linear.gather @!p1 [spmem:s11], $0x2000, $0x38;
	[tilespmem:$0x17E00] =	vst v63  }
0xd0: {  	_ =	swait.ge @!p1 [sflag:s14], $0x2000  }
0xd1: {  	s20 =	sadd.s32 $0x10, s3;
	[sflag:s14] =	ssyncset.done @!p1 $0x0  }
0xd2: {  	s17 =	simm.s32 @!p1 $0x3;
	[sflag:s14] =	ssyncadd.s32 @!p1 $0xFFFFE000;
	s14 =	simm.s32 @!p1 $0x0  }
0xd3: {  	[hbm4b:s24+s14] =	stream.linear.scatter @!p1 [tilespmem:s13], [sflag:$0x3], $0x2000, $0x38;
	[tilespmem:$0x17E00] =	vst v63  }
0xd4: {  	s15 =	simm.s32 $0x20;
	p2 =	sgt.u32 s20, $0x9D;
	_ =	swait.ge @!p1 [sflag:s17], $0x2000  }
0xd5: {  	s14 =	sadd.s32 $0x4000, s24;
	s13 =	smov.u32 s16;
	[sflag:s17] =	ssyncset.done @!p1 $0x0  }
.LBB2_4:
0xd6: {  	s18 =	simm.s32 @!p2 $0x100;
	s19 =	simm.s32 @!p2 $0x4;
	[sflag:s17] =	ssyncadd.s32 @!p1 $0xFFFFE000  }
0xd7: {  	s20 =	smov.u32 s15;
	p1 =	por p2, p2;
	s15 =	sadd.s32 $0x10, s15  }
0xd8: {  	[tilespmem:s18], [sflag:$0x4] =	stream.linear.gather @!p1 [spmem:s13], $0x2000, $0x38;
	[tilespmem:$0x17E00] =	vst v63  }
0xd9: {  	p3 =	sne.s32 s15, $0xA0;
	_ =	swait.ge @!p1 [sflag:s19], $0x2000  }
.Ltmp1:
0xda: {  	[sflag:s19] =	ssyncset.done @!p1 $0x0;
	(pc) =	sbr.rel @p3 .LBB2_4-.Ltmp1, $4  }
0xdb: {  	s17 =	simm.s32 @!p1 $0x3;
	[sflag:s19] =	ssyncadd.s32 @!p1 $0xFFFFE000;
	s19 =	simm.s32 @!p1 $0x0  }
0xdc: {  	[hbm4b:s14+s19] =	stream.linear.scatter @!p1 [tilespmem:s18], [sflag:$0x3], $0x2000, $0x38;
	[tilespmem:$0x17E00] =	vst v63  }
0xdd: {  	s18 =	sadd.s32 s20, s3;
	s14 =	sadd.s32 $0x4000, s14;
	_ =	swait.ge @!p1 [sflag:s17], $0x2000  }
0xde: {  	s13 =	sadd.s32 $0x20000, s13;
	p2 =	sgt.u32 s18, $0x9D;
	[sflag:s17] =	ssyncset.done @!p1 $0x0  }
0xdf: {  	s15 =	simm.s32 @!p2 $0x100  }
0xe0: {  	s18 =	simm.s32 @!p2 $0x4;
	[sflag:s17] =	ssyncadd.s32 @!p1 $0xFFFFE000;
	p1 =	por p2, p2  }
0xe1: {  	[tilespmem:s15], [sflag:$0x4] =	stream.linear.gather @!p1 [spmem:s13], $0x2000, $0x38;
	[tilespmem:$0x17E00] =	vst v63  }
0xe2: {  	_ =	swait.ge @!p1 [sflag:s18], $0x2000  }
0xe3: {  	[sflag:s18] =	ssyncset.done @!p1 $0x0  }
0xe4: {  	s13 =	simm.s32 @!p1 $0x0;
	s17 =	simm.s32 @!p1 $0x3;
	[sflag:s18] =	ssyncadd.s32 @!p1 $0xFFFFE000  }
0xe5: {  	[hbm4b:s14+s13] =	stream.linear.scatter @!p1 [tilespmem:s15], [sflag:$0x3], $0x2000, $0x38;
	[tilespmem:$0x17E00] =	vst v63  }
0xe6: {  	_ =	swait.ge @!p1 [sflag:s17], $0x2000  }
0xe7: {  	s12 =	sadd.s32 $0x1, s12;
	s20 =	rddreg [dreg:$0x6]  }
0xe8: {  	p2 =	sne.s32 s12, s20  }
.Ltmp2:
0xe9: {  	_ = 	snop;
	(pc) =	sbr.rel @p2 .LBB2_1-.Ltmp2, $3  }
0xea: {  	_ =	sdelay $0x1  }
0xeb: {  	[sflag:s17] =	ssyncset.done @!p1 $0x0  }
0xec: {  	[sflag:s17] =	ssyncadd.s32 @!p1 $0xFFFFE000  }
0xed: {  	_ =	sfence.sel $0x180000  }
0xee: {  	[bflag:$0x0] =	sbarrier.arrive $0xFFFF  }
0xef: {  	_ =	strace $0x9000004D  }
0xf0: {  	[bflag:$0x2] =	sbarrier.arrive $0xFFFF  }
0xf1: {  	p0 =	sne.s32 s3, $0x0;
	s0 =	rddreg [dreg:$0x3]  }
0xf2: {  	s0 =	sadd.s32 @!p0 $0x100000, s0  }
0xf3: {  	[sflag:s0] =	ssyncadd.tile.s32 @!p0 $0x1;
	_ =	shalt  }
.Lfunc_end2:
_tile_overlayer_lowered:
.L_overlay_start_2:
0xf4: {  	(tag) =	ssettag $0x2  }
0xf5: {  	s0 =	rddreg [dreg:$0x0];
	s2 =	stileid.u32  }
0xf6: {  	s1 =	rddreg [dreg:$0x1];
	p0 =	sne.s32 s2, $0x0  }
0xf7: {  	s3 =	rddreg [dreg:$0x2];
	[bflag:$0x3] =	sbarrier.arrive $0xFFFF;
	s2 =	simm.s32 @!p0 $0x1C03  }
0xf8: {  	[timem:s3], [sflag:s2] =	dma.local @!p0 [hbm:s0], s1  }
0xf9: {  	s0 =	simm.s32 @!p0 $0x3  }
0xfa: {  	_ =	swait.ge @!p0 [sflag:s0], s1  }
0xfb: {  	s1 =	ssub.s32 @!p0 $0x0, s1;
	[sflag:s0] =	ssyncset.done @!p0 $0x0  }
0xfc: {  	[sflag:s0] =	ssyncadd.s32 @!p0 s1  }
0xfd: {  	[bflag:$0x3] =	sbarrier.arrive $0xFFFF  }
0xfe: {  	_ =	shalt  }

// kernel: kernel.7.cloned.1.call-start
scs
__scs_entry_jumppad:
0x0: {  	(pc) =	sbr.rel $0x88, $3  }
0x1: {  	(tag) =	ssettag $0x0;
	lr =	simm.s32 $0x1  }
0x2: {  	[smem:$0x3F99] =	sst lr;
	_ =	strace $0xD0000000  }
0x3: {  	_ = 	snop  }
0x4: {  	_ = 	snop  }
0x5: {  	_ = 	snop  }
0x6: {  	_ = 	snop  }
0x7: {  	_ = 	snop  }
__scs_overlays_trampoline_lowered:
0x8: {  	[smem:$0x3FA8] =	sst s0  }
0x9: {  	[smem:$0x3FA9] =	sst s1  }
0xa: {  	[smem:$0x3FAA] =	sst s2  }
0xb: {  	[smem:$0x3FAB] =	sst s3  }
0xc: {  	[smem:$0x3FAC] =	sst s4  }
0xd: {  	[smem:$0x3FAD] =	sst s5  }
0xe: {  	[smem:$0x3FAE] =	sst s6  }
0xf: {  	[smem:$0x3FAF] =	sst s7  }
0x10: {  	[smem:$0x3FB0] =	sst s8  }
0x11: {  	[smem:$0x3FB1] =	sst s9;
	s0 =	simm.s32 @!p0 $0x0  }
0x12: {  	s1 =	sld [smem:$0x3F97];
	s0 =	simm.s32 @p0 $0x1  }
0x13: {  	[smem:$0x3FB2] =	sst s0;
	s0 =	simm.s32 @!p1 $0x0  }
0x14: {  	s2 =	sld [smem:$0x3F96];
	s0 =	simm.s32 @p1 $0x1  }
0x15: {  	[smem:$0x3FB3] =	sst s0;
	s0 =	simm.s32 @!p2 $0x0  }
0x16: {  	s3 =	sld [smem:$0x3FDB];
	s0 =	simm.s32 @p2 $0x1  }
0x17: {  	s4 =	simm.s32 $0x1BF5;
	[smem:$0x3FB5] =	sst s0  }
0x18: {  	s0 =	sld [smem:$0x3F98];
	_ =	swait.ge [sflag:s4], $0x0  }
0x19: {  	s7 =	sld [smem:$0x3F99]  }
0x1a: {  	s8 =	sadd.s32 $0xFFFFE003, lr  }
0x1b: {  	s9 =	sadd.s32 $0xFFFFFEF7, lr;
	s5 =	simm.s32 $0xFFFFFFFF;
	p2 =	slt.u32 s8, $0xFFFFF086  }
0x1c: {  	p1 =	slt.u32 s9, $0xF7A;
	s5 =	simm.s32 @!p2 $0x0  }
0x1d: {  	s5 =	simm.s32 @p1 $0x1;
	p0 =	seq.s32 s7, s2  }
0x1e: {  	s7 =	smul.u32 @!p0 $0xF7A, s2;
	p2 =	seq.s32 @!p0 s5, $0x0  }
0x1f: {  	s9 =	smul.u32 $0xF7A, s1;
	s8 =	simm.s32 @!p0 $0x1BF5;
	p2 =	por !p2, p0  }
0x20: {  	[sflag:s8] =	ssyncset.s32 @!p0 $0xFFFFF086;
	s6 =	sadd.s32 @!p0 s3, s7;
	s7 =	simm.s32 @!p0 $0x108  }
0x21: {  	s3 =	sadd.s32 s3, s9;
	s6 =	sadd.s32 @!p0 $0x88, s6;
	s7 =	simm.s32 @p2 $0x1082  }
0x22: {  	[simem:s7], [sflag:s8] =	dma.local @!p0 [hbm:s6], $0xF7A  }
0x23: {  	s9 =	sor.u32 $0xD0000000, s2;
	s6 =	simm.s32 $0x108;
	_ =	swait.ge @!p0 [sflag:s8], $0x0  }
0x24: {  	s3 =	sadd.s32 $0x88, s3;
	s6 =	simm.s32 @!p1 $0x1082;
	[sflag:s4] =	ssyncset.s32 $0xFFFFF086  }
0x25: {  	[simem:s6], [sflag:s4] =	dma.local [hbm:s3], $0xF7A  }
0x26: {  	[smem:$0x3F99] =	sst s1;
	(tag) =	ssettag s2;
	_ =	strace s9  }
0x27: {  	s1 =	sld [smem:$0x3FA9]  }
0x28: {  	s2 =	sld [smem:$0x3FAA]  }
0x29: {  	s4 =	sld [smem:$0x3FAC]  }
0x2a: {  	p0 =	seq.s32 s5, $0x0;
	s5 =	sld [smem:$0x3FAD]  }
0x2b: {  	s6 =	sld [smem:$0x3FAE]  }
0x2c: {  	s7 =	sld [smem:$0x3FAF]  }
0x2d: {  	s3 =	simm.s32 $0x108;
	s8 =	sld [smem:$0x3FB0]  }
0x2e: {  	s3 =	simm.s32 @!p0 $0x1082;
	s9 =	sld [smem:$0x3FB1]  }
0x2f: {  	lr =	sadd.s32 s0, s3;
	s0 =	sld [smem:$0x3FA8]  }
0x30: {  	s3 =	sld [smem:$0x3FAB]  }
0x31: {  	[smem:$0x3FB4] =	sst s10  }
0x32: {  	s10 =	sld [smem:$0x3FB2];
	_ =	sdelay $0x3  }
0x33: {  	p0 =	seq.s32 s10, $0x1;
	s10 =	sld [smem:$0x3FB4];
	_ =	sdelay $0x3  }
0x34: {  	[smem:$0x3FB4] =	sst s10  }
0x35: {  	s10 =	sld [smem:$0x3FB3];
	_ =	sdelay $0x3  }
0x36: {  	p1 =	seq.s32 s10, $0x1;
	s10 =	sld [smem:$0x3FB4];
	_ =	sdelay $0x3  }
0x37: {  	[smem:$0x3FB4] =	sst s10  }
0x38: {  	s10 =	sld [smem:$0x3FB5]  }
0x39: {  	_ = 	snop;
	(pc) =	sbr.ind lr, $3  }
0x3a: {  	_ = 	snop  }
0x3b: {  	_ = 	snop  }
0x3c: {  	p2 =	seq.s32 s10, $0x1;
	s10 =	sld [smem:$0x3FB4]  }
0x3d: {  	_ =	shalt  }
0x3e: {  	_ =	shalt  }
0x3f: {  	_ =	shalt  }
0x40: {  	_ =	shalt  }
0x41: {  	_ =	shalt  }
0x42: {  	_ =	shalt  }
0x43: {  	_ =	shalt  }
0x44: {  	_ =	shalt  }
0x45: {  	_ =	shalt  }
0x46: {  	_ =	shalt  }
0x47: {  	_ =	shalt  }
0x48: {  	_ =	shalt  }
0x49: {  	_ =	shalt  }
0x4a: {  	_ =	shalt  }
0x4b: {  	_ =	shalt  }
0x4c: {  	_ =	shalt  }
0x4d: {  	_ =	shalt  }
0x4e: {  	_ =	shalt  }
0x4f: {  	_ =	shalt  }
0x50: {  	_ =	shalt  }
0x51: {  	_ =	shalt  }
0x52: {  	_ =	shalt  }
0x53: {  	_ =	shalt  }
0x54: {  	_ =	shalt  }
0x55: {  	_ =	shalt  }
0x56: {  	_ =	shalt  }
0x57: {  	_ =	shalt  }
0x58: {  	_ =	shalt  }
0x59: {  	_ =	shalt  }
0x5a: {  	_ =	shalt  }
0x5b: {  	_ =	shalt  }
0x5c: {  	_ =	shalt  }
0x5d: {  	_ =	shalt  }
0x5e: {  	_ =	shalt  }
0x5f: {  	_ =	shalt  }
0x60: {  	_ =	shalt  }
0x61: {  	_ =	shalt  }
0x62: {  	_ =	shalt  }
0x63: {  	_ =	shalt  }
0x64: {  	_ =	shalt  }
0x65: {  	_ =	shalt  }
0x66: {  	_ =	shalt  }
0x67: {  	_ =	shalt  }
0x68: {  	_ =	shalt  }
0x69: {  	_ =	shalt  }
0x6a: {  	_ =	shalt  }
0x6b: {  	_ =	shalt  }
0x6c: {  	_ =	shalt  }
0x6d: {  	_ =	shalt  }
0x6e: {  	_ =	shalt  }
0x6f: {  	_ =	shalt  }
0x70: {  	_ =	shalt  }
0x71: {  	_ =	shalt  }
0x72: {  	_ =	shalt  }
0x73: {  	_ =	shalt  }
0x74: {  	_ =	shalt  }
0x75: {  	_ =	shalt  }
0x76: {  	_ =	shalt  }
0x77: {  	_ =	shalt  }
0x78: {  	_ =	shalt  }
0x79: {  	_ =	shalt  }
0x7a: {  	_ =	shalt  }
0x7b: {  	_ =	shalt  }
0x7c: {  	_ =	shalt  }
0x7d: {  	_ =	shalt  }
0x7e: {  	_ =	shalt  }
0x7f: {  	_ =	shalt  }
0x80: {  	_ =	shalt  }
0x81: {  	_ =	shalt  }
0x82: {  	_ =	shalt  }
0x83: {  	_ =	shalt  }
0x84: {  	_ =	shalt  }
0x85: {  	_ =	shalt  }
0x86: {  	_ =	shalt  }
0x87: {  	_ =	shalt  }
.Lfunc_end0:
.L_simem_size_0:
called_computation_lowered:
.L_overlay_start_0:
0x88: {  	s2 =	sld [smem:$0x3FD9]  }
0x89: {  	s3 =	sld [smem:$0x3FFE];
	_ =	sdelay $0x1  }
0x8a: {  	s1 =	srdreg.scid  }
0x8b: {  	s0 =	sand.u32 $0x1, s1  }
0x8c: {  	s17 =	sshll.u32 s0, $0xA;
	s2 =	sadd.s32 s3, s2  }
0x8d: {  	s2 =	sadd.s32 s2, s17  }
0x8e: {  	[smem:$0x3FC0] =	sst s2  }
0x8f: {  	_ = 	snop  }
0x90: {  	s18 =	sld [smem:$0x3FD0];
	(tm) =	ssettm $0x1  }
0x91: {  	s19 =	sld [smem:$0x3FFB];
	_ =	sdelay $0x3  }
0x92: {  	_ =	strace s19  }
0x93: {  	s2 =	sld [smem:$0x3FFC];
	_ =	sdelay $0x3  }
0x94: {  	_ =	strace s2  }
0x95: {  	s2 =	sld [smem:$0x3FFD];
	_ =	sdelay $0x3  }
0x96: {  	_ =	strace s2  }
0x97: {  	_ =	strace $0x8FFFFFFF  }
0x98: {  	s20 =	sld [smem:$0x3FDB];
	_ =	sdelay $0x1  }
0x99: {  	s4 =	simm.s32 $_scs_section_size  }
0x9a: {  	s5 =	simm.s32 $_size__tile_overlayer_lowered;
	s6 =	simm.s32 $_tile_overlayer_lowered  }
0x9b: {  	s7 =	simm.s32 $0x1BFF;
	s21 =	sshll.u32 s6, $0x1;
	s4 =	sadd.s32 s4, s20  }
0x9c: {  	s22 =	simm.s32 $0x0;
	s5 =	sshll.u32 s5, $0x1;
	s6 =	sadd.s32 s21, s4  }
0x9d: {  	[timem:s22], [sflag:s7] =	dma.local [hbm:s6], s5  }
0x9e: {  	_ =	swait.ge [sflag:s7], s5  }
0x9f: {  	s5 =	ssub.s32 $0x0, s5;
	[sflag:s7] =	ssyncset.done $0x0  }
0xa0: {  	[sflag:s7] =	ssyncadd.s32 s5;
	_ =	sdelay $0x1  }
0xa1: {  	s23 =	simm.s32 $0x1B8B  }
0xa2: {  	_ =	swait.ge [sflag:s23], $0x1  }
0xa3: {  	[sflag:s23] =	ssyncset.done $0x0  }
0xa4: {  	[sflag:s23] =	ssyncadd.s32 $0xFFFFFFFF  }
0xa5: {  	s5 =	sld [smem:$0x0]  }
0xa6: {  	s6 =	sand.u32 $0xFFFFFFFE, s1  }
0xa7: {  	p0 =	sne.s32 s1, s6  }
0xa8: {  	s6 =	sshll.u32 @p0 s6, $0xE  }
0xa9: {  	s6 =	sadd.s32 @p0 $0x11B8D, s6;
	s7 =	sshll.u32 @p0 s5, $0x11  }
0xaa: {  	s6 =	sor.u32 @p0 s7, s6  }
0xab: {  	[sflag:s6] =	ssyncadd.remote.s32 @p0 $0x1;
	_ =	sdelay $0x1  }
0xac: {  	s6 =	simm.s32 @p0 $0x1B8D  }
0xad: {  	_ =	swait.eq @p0 [sflag:s6], $0x1  }
0xae: {  	[sflag:s6] =	ssyncadd.s32 @p0 $0xFFFFFFFF  }
0xaf: {  	s7 =	sshll.u32 @!p0 s1, $0xE  }
0xb0: {  	s7 =	sor.u32 @!p0 $0x4000, s7;
	s6 =	simm.s32 @!p0 $0x1B8D  }
0xb1: {  	s5 =	sshll.u32 @!p0 s5, $0x11;
	s7 =	sadd.s32 @!p0 $0x11B8D, s7;
	_ =	swait.eq @!p0 [sflag:s6], $0x1  }
0xb2: {  	s5 =	sor.u32 @!p0 s5, s7;
	[sflag:s6] =	ssyncadd.s32 @!p0 $0xFFFFFFFF  }
0xb3: {  	s25 =	simm.s32 $0x1B8E;
	s24 =	sld [smem:$0x3FFE];
	[sflag:s5] =	ssyncadd.remote.s32 @!p0 $0x1  }
0xb4: {  	s26 =	simm.s32 $execute0_lowered;
	[smem:$0x3FD2] =	sst s25  }
0xb5: {  	s6 =	sshll.u32 s26, $0x1;
	_ =	strace $0x80000049;
	[dreg:$0x1] =	wrdreg $0xFFFFFFFF  }
0xb6: {  	s28 =	simm.s32 $_size_execute0_lowered;
	s4 =	sadd.s32 s4, s6;
	[dreg:$0x0] =	wrdreg $0x0  }
0xb7: {  	s6 =	sshll.u32 s28, $0x1;
	[dreg:$0x2] =	wrdreg s4  }
0xb8: {  	[dreg:$0x3] =	wrdreg s6  }
0xb9: {  	[dreg:$0x4] =	wrdreg $0xC0  }
0xba: {  	_ =	task [dreg:s22], $0x5FFFF  }
0xbb: {  	[dreg:$0x1] =	wrdreg $0xFFFFFFFF  }
0xbc: {  	[dreg:$0x0] =	wrdreg $0x60  }
0xbd: {  	[dreg:$0x2] =	wrdreg s18  }
0xbe: {  	[dreg:$0x3] =	wrdreg s24  }
0xbf: {  	[dreg:$0x4] =	wrdreg $0x40800  }
0xc0: {  	[dreg:$0x5] =	wrdreg $0x9  }
0xc1: {  	_ =	task.clear_ibuf [dreg:s22], $0x6FFFF;
	_ =	strace $0x90000049  }
0xc2: {  	s29 =	simm.s32 $0x9;
	_ =	strace $0x8000004B  }
0xc3: {  	_ =	swait.ge [sflag:s29], $0x1  }
0xc4: {  	[sflag:s29] =	ssyncadd.s32 $0xFFFFFFFF  }
0xc5: {  	_ =	strace $0x9000004B  }
0xc6: {  	_ =	sfence  }
0xc7: {  	s30 =	sld [smem:$0x0];
	_ =	sdelay $0x2  }
0xc8: {  	s31 =	sshll.u32 s1, $0xD;
	s1 =	sshrl.u32 s1, $0x2  }
0xc9: {  	s4 =	sand.u32 $0x4000, s31;
	s1 =	sadd.s32 s1, s30  }
0xca: {  	s0 =	sor.u32 s4, s0;
	s1 =	sshll.u32 s1, $0x11  }
0xcb: {  	s0 =	sor.u32 s1, s0  }
0xcc: {  	s0 =	sadd.s32 $0x8F2B, s0  }
0xcd: {  	[sflag:s0] =	ssyncadd.remote.s32 $0x1  }
0xce: {  	_ =	sfence.sel $0xFFFF  }
0xcf: {  	[dreg:$0x0] =	wrdreg $0xFFFFFFFF;
	(pc) =	sbr.abs _section_cstart, $3  }
0xd0: {  	[dreg:$0x1] =	wrdreg $0xFFFFFFFF  }
0xd1: {  	_ =	task.clear_ibuf [dreg:s22], $0x2FFFF;
	_ =	strace $0x9FFFFFFF  }
0xd2: {  	(tm) =	ssettm $0x7FFFFFFF  }
0xd3: {  	_ =	shalt  }
tec
execute0_lowered:
.L_overlay_start_1:
0x0: {  	(tag) =	ssettag $0x1  }
0x1: {  	s1 =	rddreg [dreg:$0x0]  }
0x2: {  	s7 =	rddreg [dreg:$0x1]  }
0x3: {  	s2 =	rddreg [dreg:$0x2]  }
0x4: {  	s0 =	rddreg [dreg:$0x3];
	s4 =	simm.s32 $0x0;
	s6 =	srdreg.scid  }
0x5: {  	s3 =	stileid.u32;
	s22 =	simm.s32 $0x0;
	[smem:$0x7FF] =	sst s4  }
0x6: {  	s5 =	sadd.s32 $0x79E00, s7;
	s8 =	sand.u32 $0x1, s6;
	s9 =	sshll.u32 s3, $0x1  }
0x7: {  	s6 =	sadd.s32 $0x7A600, s7;
	s18 =	sadd.s32 $0x7AE00, s7;
	s13 =	sshll.u32 s3, $0xE  }
0x8: {  	p0 =	seq.s32 s3, $0xF;
	_ =	strace $0x8000004A;
	s10 =	ssub.s32 $0x2, s8  }
0x9: {  	s9 =	sor.u32 s8, s9;
	s16 =	smul.u32 $0x13C000, s8;
	s14 =	sor.u32 $0x40000, s13  }
0xa: {  	s17 =	sor.u32 $0x80000, s13;
	s19 =	sor.u32 $0xC0000, s13;
	s20 =	sor.u32 $0x100000, s13  }
0xb: {  	s11 =	sshrl.u32 s10, $0x1;
	s7 =	smul.u32 $0x2800, s9;
	s9 =	sadd.s32 s13, s2  }
0xc: {  	s12 =	sadd.s32 s19, s2;
	s29 =	ssub.s32 s10, s11;
	s10 =	sadd.s32 s14, s2  }
0xd: {  	s11 =	sadd.s32 s17, s2;
	s15 =	sadd.s32 s16, s13;
	s21 =	sadd.s32 s16, s14  }
0xe: {  	s13 =	sadd.s32 s20, s2;
	s17 =	sadd.s32 s16, s17;
	s19 =	sadd.s32 s16, s19  }
0xf: {  	s20 =	sadd.s32 s16, s20;
	s8 =	smax.u32 s29, $0x1;
	s15 =	sshrl.u32 s15, $0x3  }
0x10: {  	s30 =	sshrl.u32 s21, $0x3;
	s17 =	sshrl.u32 s17, $0x3;
	s19 =	sshrl.u32 s19, $0x3  }
0x11: {  	s31 =	sshrl.u32 s20, $0x3;
	s20 =	simm.s32 $0x1;
	s21 =	simm.s32 $0x2  }
0x12: {  	s14 =	sadd.s32 s18, s15;
	s15 =	sadd.s32 s18, s30;
	s16 =	sadd.s32 s18, s17  }
0x13: {  	s17 =	sadd.s32 s18, s19;
	s18 =	sadd.s32 s18, s31;
	s19 =	simm.s32 $0x80  }
.LBB2_1:
0x14: {  	[tilespmem:s19], [sflag:$0x1] =	stream.linear.gather [hbm4b:s6+s4], $0x4000, $0x38;
	[tilespmem:$0x17C80] =	vst v63  }
0x15: {  	_ =	swait.ge [sflag:s20], $0x4000  }
0x16: {  	[sflag:s20] =	ssyncset.done $0x0  }
0x17: {  	[sflag:s20] =	ssyncadd.s32 $0xFFFFC000  }
0x18: {  	[spmem:s9] =	stream.linear.scatter [tilespmem:s19], [sflag:$0x1], $0x4000, $0x38;
	[tilespmem:$0x17C80] =	vst v63  }
0x19: {  	_ =	swait.ge [sflag:s20], $0x4000  }
0x1a: {  	[sflag:s20] =	ssyncset.done $0x0  }
0x1b: {  	[sflag:s20] =	ssyncadd.s32 $0xFFFFC000  }
0x1c: {  	[spmem:s10] =	stream.linear.scatter [tilespmem:s19], [sflag:$0x1], $0x4000, $0x38;
	[tilespmem:$0x17C80] =	vst v63  }
0x1d: {  	_ =	swait.ge [sflag:s20], $0x4000  }
0x1e: {  	[sflag:s20] =	ssyncset.done $0x0  }
0x1f: {  	[sflag:s20] =	ssyncadd.s32 $0xFFFFC000  }
0x20: {  	[spmem:s11] =	stream.linear.scatter [tilespmem:s19], [sflag:$0x1], $0x4000, $0x38;
	[tilespmem:$0x17C80] =	vst v63  }
0x21: {  	_ =	swait.ge [sflag:s20], $0x4000  }
0x22: {  	[sflag:s20] =	ssyncset.done $0x0  }
0x23: {  	[sflag:s20] =	ssyncadd.s32 $0xFFFFC000  }
0x24: {  	[spmem:s12] =	stream.linear.scatter [tilespmem:s19], [sflag:$0x1], $0x4000, $0x38;
	[tilespmem:$0x17C80] =	vst v63  }
0x25: {  	_ =	swait.ge [sflag:s20], $0x4000  }
0x26: {  	[sflag:s20] =	ssyncset.done $0x0  }
0x27: {  	s23 =	simm.s32 @!p0 $0x80;
	[sflag:s20] =	ssyncadd.s32 $0xFFFFC000  }
0x28: {  	[spmem:s13] =	stream.linear.scatter @!p0 [tilespmem:s23], [sflag:$0x1], $0x4000, $0x38;
	[tilespmem:$0x17C80] =	vst v63  }
0x29: {  	s23 =	simm.s32 @!p0 $0x1  }
0x2a: {  	_ =	swait.ge @!p0 [sflag:s23], $0x4000  }
0x2b: {  	[sflag:s23] =	ssyncset.done @!p0 $0x0  }
0x2c: {  	s29 =	sand.u32 $0x3C00, s4;
	[sflag:s23] =	ssyncadd.s32 @!p0 $0xFFFFC000  }
0x2d: {  	[tilespmem:s19], [sflag:$0x1] =	stream.linear.gather [hbm4b:s5+s4], $0x4000, $0x38;
	[tilespmem:$0x17C80] =	vst v63  }
0x2e: {  	s24 =	sand.u32 $0x380, s4;
	s23 =	sadd.s32 s7, s29;
	_ =	swait.ge [sflag:s20], $0x4000  }
0x2f: {  	s23 =	sor.u32 s24, s23;
	[sflag:s20] =	ssyncset.done $0x0  }
0x30: {  	s23 =	sshrl.u32 s23, $0x3;
	[sflag:s20] =	ssyncadd.s32 $0xFFFFC000  }
0x31: {  	s23 =	sadd.s32 s1, s23;
	[bflag:$0x0] =	sbarrier.arrive $0xFFFF  }
0x32: {  	[tilespmem:s4], [sflag:$0x1] =	stream.linear.gather [hbm4b:s23+s4], $0x80, $0x38;
	[tilespmem:$0x17C80] =	vst v63  }
0x33: {  	_ =	swait.ge [sflag:s20], $0x80  }
0x34: {  	s30 =	simm.s32 $0x80;
	[sflag:s20] =	ssyncset.done $0x0  }
0x35: {  	s31 =	sand.u32 $0x3C00, s30;
	[sflag:s20] =	ssyncadd.s32 $0xFFFFFF80  }
0x36: {  	[spmem:s2] =	stream.indirect.scatter.add.f32 [tilespmem:s19], [sflag:$0x1], $0x80, s4, s19, $0xb8;
	[tilespmem:$0x17C80] =	vst v63  }
0x37: {  	s25 =	sand.u32 $0x380, s30;
	s24 =	sadd.s32 s7, s31;
	_ =	swait.ge [sflag:s20], $0x4000  }
0x38: {  	s24 =	sor.u32 s25, s24;
	s23 =	simm.s32 $0x100;
	[sflag:s20] =	ssyncset.done $0x0  }
.LBB2_2:
0x39: {  	s24 =	sshrl.u32 s24, $0x3  }
0x3a: {  	[sflag:s20] =	ssyncadd.s32 $0xFFFFC000;
	s25 =	smov.u32 s23;
	s26 =	sadd.s32 $0x80, s23  }
0x3b: {  	p1 =	sne.s32 s23, $0x2780;
	s23 =	sadd.s32 s1, s24  }
0x3c: {  	[tilespmem:s4], [sflag:$0x1] =	stream.linear.gather [hbm4b:s23+s4], $0x80, $0x38;
	[tilespmem:$0x17C80] =	vst v63  }
0x3d: {  	_ =	swait.ge [sflag:s20], $0x80  }
.Ltmp0:
0x3e: {  	[sflag:s20] =	ssyncset.done $0x0;
	(pc) =	sbr.rel @p1 .LBB2_2-.Ltmp0, $4  }
0x3f: {  	s23 =	sand.u32 $0x3C00, s25;
	[sflag:s20] =	ssyncadd.s32 $0xFFFFFF80  }
0x40: {  	[spmem:s2] =	stream.indirect.scatter.add.f32 [tilespmem:s19], [sflag:$0x1], $0x80, s4, s19, $0xb8;
	[tilespmem:$0x17C80] =	vst v63  }
0x41: {  	s24 =	sand.u32 $0x380, s25;
	s23 =	sadd.s32 s7, s23;
	_ =	swait.ge [sflag:s20], $0x4000  }
0x42: {  	s24 =	sor.u32 s24, s23;
	s23 =	smov.u32 s26;
	[sflag:s20] =	ssyncset.done $0x0  }
0x43: {  	s23 =	sshrl.u32 s24, $0x3  }
0x44: {  	[sflag:s20] =	ssyncadd.s32 $0xFFFFC000;
	s23 =	sadd.s32 s1, s23  }
0x45: {  	[tilespmem:s4], [sflag:$0x1] =	stream.linear.gather [hbm4b:s23+s4], $0x80, $0x38;
	[tilespmem:$0x17C80] =	vst v63  }
0x46: {  	_ =	swait.ge [sflag:s20], $0x80  }
0x47: {  	[sflag:s20] =	ssyncset.done $0x0  }
0x48: {  	[sflag:s20] =	ssyncadd.s32 $0xFFFFFF80  }
0x49: {  	[spmem:s2] =	stream.indirect.scatter.add.f32 [tilespmem:s19], [sflag:$0x1], $0x80, s4, s19, $0xb8;
	[tilespmem:$0x17C80] =	vst v63  }
0x4a: {  	_ =	swait.ge [sflag:s20], $0x4000  }
0x4b: {  	[sflag:s20] =	ssyncset.done $0x0  }
0x4c: {  	[sflag:s20] =	ssyncadd.s32 $0xFFFFC000  }
0x4d: {  	[bflag:$0x0] =	sbarrier.arrive $0xFFFF  }
0x4e: {  	[tilespmem:s19], [sflag:$0x2] =	stream.linear.gather [spmem:s9], $0x4000, $0x38;
	[tilespmem:$0x17C80] =	vst v63  }
0x4f: {  	_ =	swait.ge [sflag:s21], $0x4000  }
0x50: {  	[sflag:s21] =	ssyncset.done $0x0  }
0x51: {  	[sflag:s21] =	ssyncadd.s32 $0xFFFFC000  }
0x52: {  	[hbm4b:s14+s4] =	stream.linear.scatter [tilespmem:s19], [sflag:$0x1], $0x4000, $0x38;
	[tilespmem:$0x17C80] =	vst v63  }
0x53: {  	_ =	swait.ge [sflag:s20], $0x4000  }
0x54: {  	[sflag:s20] =	ssyncset.done $0x0  }
0x55: {  	[sflag:s20] =	ssyncadd.s32 $0xFFFFC000  }
0x56: {  	[tilespmem:s19], [sflag:$0x2] =	stream.linear.gather [spmem:s10], $0x4000, $0x38;
	[tilespmem:$0x17C80] =	vst v63  }
0x57: {  	_ =	swait.ge [sflag:s21], $0x4000  }
0x58: {  	[sflag:s21] =	ssyncset.done $0x0  }
0x59: {  	[sflag:s21] =	ssyncadd.s32 $0xFFFFC000  }
0x5a: {  	[hbm4b:s15+s4] =	stream.linear.scatter [tilespmem:s19], [sflag:$0x1], $0x4000, $0x38;
	[tilespmem:$0x17C80] =	vst v63  }
0x5b: {  	_ =	swait.ge [sflag:s20], $0x4000  }
0x5c: {  	[sflag:s20] =	ssyncset.done $0x0  }
0x5d: {  	[sflag:s20] =	ssyncadd.s32 $0xFFFFC000  }
0x5e: {  	[tilespmem:s19], [sflag:$0x2] =	stream.linear.gather [spmem:s11], $0x4000, $0x38;
	[tilespmem:$0x17C80] =	vst v63  }
0x5f: {  	_ =	swait.ge [sflag:s21], $0x4000  }
0x60: {  	[sflag:s21] =	ssyncset.done $0x0  }
0x61: {  	[sflag:s21] =	ssyncadd.s32 $0xFFFFC000  }
0x62: {  	[hbm4b:s16+s4] =	stream.linear.scatter [tilespmem:s19], [sflag:$0x1], $0x4000, $0x38;
	[tilespmem:$0x17C80] =	vst v63  }
0x63: {  	_ =	swait.ge [sflag:s20], $0x4000  }
0x64: {  	[sflag:s20] =	ssyncset.done $0x0  }
0x65: {  	[sflag:s20] =	ssyncadd.s32 $0xFFFFC000  }
0x66: {  	[tilespmem:s19], [sflag:$0x2] =	stream.linear.gather [spmem:s12], $0x4000, $0x38;
	[tilespmem:$0x17C80] =	vst v63  }
0x67: {  	_ =	swait.ge [sflag:s21], $0x4000  }
0x68: {  	[sflag:s21] =	ssyncset.done $0x0  }
0x69: {  	[sflag:s21] =	ssyncadd.s32 $0xFFFFC000  }
0x6a: {  	[hbm4b:s17+s4] =	stream.linear.scatter [tilespmem:s19], [sflag:$0x1], $0x4000, $0x38;
	[tilespmem:$0x17C80] =	vst v63  }
0x6b: {  	_ =	swait.ge [sflag:s20], $0x4000  }
0x6c: {  	[sflag:s20] =	ssyncset.done $0x0  }
0x6d: {  	s24 =	simm.s32 @!p0 $0x2;
	s23 =	simm.s32 @!p0 $0x80;
	[sflag:s20] =	ssyncadd.s32 $0xFFFFC000  }
0x6e: {  	[tilespmem:s23], [sflag:$0x2] =	stream.linear.gather @!p0 [spmem:s13], $0x4000, $0x38;
	[tilespmem:$0x17C80] =	vst v63  }
0x6f: {  	_ =	swait.ge @!p0 [sflag:s24], $0x4000  }
0x70: {  	s22 =	sadd.s32 $0x1, s22;
	[sflag:s24] =	ssyncset.done @!p0 $0x0  }
0x71: {  	p1 =	sne.s32 s22, s8;
	[sflag:s24] =	ssyncadd.s32 @!p0 $0xFFFFC000;
	s24 =	simm.s32 @!p0 $0x0  }
0x72: {  	[hbm4b:s18+s24] =	stream.linear.scatter @!p0 [tilespmem:s23], [sflag:$0x1], $0x4000, $0x38;
	[tilespmem:$0x17C80] =	vst v63  }
.Ltmp1:
0x73: {  	_ = 	snop;
	(pc) =	sbr.rel @p1 .LBB2_1-.Ltmp1, $4  }
0x74: {  	s23 =	simm.s32 @!p0 $0x1  }
0x75: {  	_ =	swait.ge @!p0 [sflag:s23], $0x4000  }
0x76: {  	[sflag:s23] =	ssyncset.done @!p0 $0x0  }
0x77: {  	[sflag:s23] =	ssyncadd.s32 @!p0 $0xFFFFC000  }
0x78: {  	_ =	sfence.sel $0x180000  }
0x79: {  	[bflag:$0x0] =	sbarrier.arrive $0xFFFF  }
0x7a: {  	p0 =	sne.s32 s3, $0x0;
	_ =	strace $0x9000004A  }
0x7b: {  	s0 =	sadd.s32 @!p0 $0x100000, s0;
	[bflag:$0x2] =	sbarrier.arrive $0xFFFF  }
0x7c: {  	[sflag:s0] =	ssyncadd.tile.s32 @!p0 $0x1;
	_ =	shalt  }
.Lfunc_end2:
_tile_overlayer_lowered:
.L_overlay_start_2:
0x7d: {  	(tag) =	ssettag $0x2  }
0x7e: {  	s0 =	rddreg [dreg:$0x0];
	s2 =	stileid.u32  }
0x7f: {  	s1 =	rddreg [dreg:$0x1];
	p0 =	sne.s32 s2, $0x0  }
0x80: {  	s3 =	rddreg [dreg:$0x2];
	[bflag:$0x3] =	sbarrier.arrive $0xFFFF;
	s2 =	simm.s32 @!p0 $0x1C01  }
0x81: {  	[timem:s3], [sflag:s2] =	dma.local @!p0 [hbm:s0], s1  }
0x82: {  	s0 =	simm.s32 @!p0 $0x1  }
0x83: {  	_ =	swait.ge @!p0 [sflag:s0], s1  }
0x84: {  	s1 =	ssub.s32 @!p0 $0x0, s1;
	[sflag:s0] =	ssyncset.done @!p0 $0x0  }
0x85: {  	[sflag:s0] =	ssyncadd.s32 @!p0 s1  }
0x86: {  	[bflag:$0x3] =	sbarrier.arrive $0xFFFF  }
0x87: {  	_ =	shalt  }

</sc_bundles>
